<compile_context>
chip_gen: v7x
topology: tpu7x:2x2x1
jax: 0.10.2.dev20260603
libtpu: 0.0.44.dev20260713+nightly
codegen_flags: <defaults>
</compile_context>

<pallas_src>
import functools

import jax
import jax.numpy as jnp
from jax import lax
from jax.experimental import pallas as pl
from jax.experimental.pallas import tpu as pltpu
from jax.experimental.pallas import tpu_sc as plsc

_D = 1024
_BATCH = 4
_SEQ = 2048
_NC = 2
_NS = 16
_NW = _NC * _NS
_SBLK = _NW // _BATCH
_SPAN = _SEQ // _SBLK
_CHUNK = 32
_NCHUNK = _SPAN // _CHUNK
_NBUF = 3


@functools.partial(
    pl.kernel,
    mesh=plsc.VectorSubcoreMesh(core_axis_name="c", subcore_axis_name="s"),
    out_type=jax.ShapeDtypeStruct((_SEQ, _BATCH, _D), jnp.float32),
    scratch_types=(
        [pltpu.VMEM((_SPAN,), jnp.int32)]
        + [pltpu.VMEM((_CHUNK, _D), jnp.float32)] * _NBUF
        + [pltpu.SemaphoreType.DMA] * (2 * _NBUF)
    ),
)
def _gather_kernel(ids_hbm, table_hbm, out_hbm, idx_v, *rest):
    bufs = rest[:_NBUF]
    gsems = rest[_NBUF:2 * _NBUF]
    wsems = rest[2 * _NBUF:]

    wid = lax.axis_index("s") * _NC + lax.axis_index("c")
    b = wid % _BATCH
    sblk = wid // _BATCH
    s_base = sblk * _SPAN

    pltpu.sync_copy(ids_hbm.at[b, pl.ds(s_base, _SPAN)], idx_v)

    def start_gather(c):
        return pltpu.async_copy(
            table_hbm.at[idx_v.at[pl.ds(c * _CHUNK, _CHUNK)]],
            bufs[c % _NBUF], gsems[c % _NBUF])

    def start_write(c):
        return pltpu.async_copy(
            bufs[c % _NBUF],
            out_hbm.at[pl.ds(s_base + c * _CHUNK, _CHUNK), b],
            wsems[c % _NBUF])

    gcopy = [None] * _NBUF
    wcopy = [None] * _NBUF
    for c in range(min(_NBUF - 1, _NCHUNK)):
        gcopy[c % _NBUF] = start_gather(c)
    for c in range(_NCHUNK):
        i = c % _NBUF
        nxt = c + _NBUF - 1
        if nxt < _NCHUNK:
            j = nxt % _NBUF
            if wcopy[j] is not None:
                wcopy[j].wait()
            gcopy[j] = start_gather(nxt)
        gcopy[i].wait()
        wcopy[i] = start_write(c)
    for w in wcopy:
        if w is not None:
            w.wait()


def kernel(input_ids, labels, W):
    out = _gather_kernel(input_ids, W)
    return out, labels

# --- scband reference (transcript-rebuilt; emitter-appended) ---
"""Pipeline reference for scband-embedding-pipe-layer-43980465111123 (READ-ONLY COPY).

The authoritative reference and input builder live on the scoring server;
editing this copy changes nothing except your own understanding.
"""

import jax, jax.numpy as jnp
import numpy as np

VOCAB = 100000
D_MODEL = 1024
BATCH = 4
SEQ = 2048


def setup_inputs(seed: int = 0) -> dict:
    key = jax.random.key(seed)
    k1, k2, k3 = jax.random.split(key, 3)
    input_ids = jax.random.randint(k1, (BATCH, SEQ), 0, VOCAB, dtype=jnp.int32)
    labels = jax.random.randint(k2, (BATCH, SEQ), 0, VOCAB, dtype=jnp.int32)
    # learned embedding table (ChatGLM transformer.embedding.word_embeddings.weight)
    W = jax.random.normal(k3, (VOCAB, D_MODEL), dtype=jnp.float32) * 0.02
    return {"input_ids": input_ids, "labels": labels, "W": W}


def reference(input_ids, labels, W):
    # EmbeddingPipeLayer.forward: inputs_embeds = self.embedding(input_ids)
    # ChatGLM's Embedding block does a table lookup then transposes to
    # [seq_len, batch, hidden] for the pipeline stages downstream.
    inputs_embeds = jnp.take(W, input_ids, axis=0)          # [B, S, D]
    inputs_embeds = jnp.transpose(inputs_embeds, (1, 0, 2))  # [S, B, D]
    return (inputs_embeds, labels)

if __name__ == "__main__":
    import jax
    _d = setup_inputs()
    print(jax.jit(kernel)(*tuple(_d.values())))

</pallas_src>

<mosaic_0001>
#map = affine_map<(d0, d1) -> (0, 0)>
#map1 = affine_map<(d0, d1) -> (0, 0, 0)>
module attributes {stable_mosaic.version = 14 : i64} {
  func.func @_gather_kernel(%arg0: i32, %arg1: i32, %arg2: memref<4x2048xi32, #tpu.memory_space<hbm>>, %arg3: memref<100000x1024xf32, #tpu.memory_space<hbm>>, %arg4: memref<2048x4x1024xf32, #tpu.memory_space<hbm>>, %arg5: memref<256xi32, #tpu.memory_space<vmem>>, %arg6: memref<32x1024xf32, #tpu.memory_space<vmem>>, %arg7: memref<32x1024xf32, #tpu.memory_space<vmem>>, %arg8: memref<32x1024xf32, #tpu.memory_space<vmem>>, %arg9: memref<!tpu.dma_semaphore, #tpu.memory_space<semaphore_mem>>, %arg10: memref<!tpu.dma_semaphore, #tpu.memory_space<semaphore_mem>>, %arg11: memref<!tpu.dma_semaphore, #tpu.memory_space<semaphore_mem>>, %arg12: memref<!tpu.dma_semaphore, #tpu.memory_space<semaphore_mem>>, %arg13: memref<!tpu.dma_semaphore, #tpu.memory_space<semaphore_mem>>, %arg14: memref<!tpu.dma_semaphore, #tpu.memory_space<semaphore_mem>>) attributes {dimension_semantics = [#tpu.dimension_semantics<core_parallel>, #tpu.dimension_semantics<subcore_parallel>], iteration_bounds = array<i64: 2, 16>, scalar_prefetch = 0 : i64, scratch_operands = 10 : i64, tpu.core_type = #tpu.core_type<sc_vector_subcore>, window_params = [{transform_indices = #map}, {transform_indices = #map}, {transform_indices = #map1}]} {
    %mul3A = arith.constant 2 : i32
    %mul3A_0 = arith.muli %arg1, %mul3A : i32
    %add3A = arith.addi %mul3A_0, %arg0 : i32
    %jit3A = arith.constant 4 : i32
    %eq3A = arith.constant 0 : i32
    %eq3A_1 = arith.cmpi eq, %jit3A, %eq3A : i32
    %jit3A_2 = arith.constant 1 : i32
    %select_n3A = arith.select %eq3A_1, %jit3A_2, %jit3A : i32
    %rem3A = arith.remsi %add3A, %select_n3A : i32
    %ne3A = arith.constant 0 : i32
    %ne3A_3 = arith.cmpi ne, %rem3A, %ne3A : i32
    %lt3A = arith.constant 0 : i32
    %lt3A_4 = arith.cmpi slt, %rem3A, %lt3A : i32
    %lt3A_5 = arith.constant 0 : i32
    %lt3A_6 = arith.cmpi slt, %select_n3A, %lt3A_5 : i32
    %ne3A_7 = arith.xori %lt3A_4, %lt3A_6 : i1
    %and3A = arith.andi %ne3A_7, %ne3A_3 : i1
    %add3A_8 = arith.addi %rem3A, %select_n3A : i32
    %select_n3A_9 = arith.select %and3A, %add3A_8, %rem3A : i32
    %jit3A_10 = arith.constant 4 : i32
    %div3A = arith.divsi %add3A, %jit3A_10 : i32
    %sign3A = arith.constant 0 : i32
    %sign3A_11 = arith.cmpi sgt, %add3A, %sign3A : i32
    %sign3A_12 = arith.extui %sign3A_11 : i1 to i32
    %sign3A_13 = arith.constant 0 : i32
    %sign3A_14 = arith.cmpi slt, %add3A, %sign3A_13 : i32
    %sign3A_15 = arith.extui %sign3A_14 : i1 to i32
    %sign3A_16 = arith.subi %sign3A_12, %sign3A_15 : i32
    %sign3A_17 = arith.constant 0 : i32
    %sign3A_18 = arith.cmpi sgt, %jit3A_10, %sign3A_17 : i32
    %sign3A_19 = arith.extui %sign3A_18 : i1 to i32
    %sign3A_20 = arith.constant 0 : i32
    %sign3A_21 = arith.cmpi slt, %jit3A_10, %sign3A_20 : i32
    %sign3A_22 = arith.extui %sign3A_21 : i1 to i32
    %sign3A_23 = arith.subi %sign3A_19, %sign3A_22 : i32
    %ne3A_24 = arith.cmpi ne, %sign3A_16, %sign3A_23 : i32
    %rem3A_25 = arith.remsi %add3A, %jit3A_10 : i32
    %ne3A_26 = arith.constant 0 : i32
    %ne3A_27 = arith.cmpi ne, %rem3A_25, %ne3A_26 : i32
    %and3A_28 = arith.andi %ne3A_24, %ne3A_27 : i1
    %sub3A = arith.constant 1 : i32
    %sub3A_29 = arith.subi %div3A, %sub3A : i32
    %select_n3A_30 = arith.select %and3A_28, %sub3A_29, %div3A : i32
    %mul3A_31 = arith.constant 256 : i32
    %mul3A_32 = arith.muli %select_n3A_30, %mul3A_31 : i32
    "tpu.region"() ({
      %run_scoped3A = tpu.sem_alloc : memref<!tpu.dma_semaphore, #tpu.memory_space<semaphore_mem>>
      %dma_start3A_223 = tpu.memref_slice %arg2[%select_n3A_9, %mul3A_32] : memref<4x2048xi32, #tpu.memory_space<hbm>> -> memref<1x256xi32, #tpu.memory_space<hbm>>
      %dma_start3A_224 = tpu.memref_squeeze %dma_start3A_223 : memref<1x256xi32, #tpu.memory_space<hbm>> -> memref<256xi32, #tpu.memory_space<hbm>>
      %dma_start3A_225 = tpu.memref_slice %arg2[%select_n3A_9, %mul3A_32] : memref<4x2048xi32, #tpu.memory_space<hbm>> -> memref<1x256xi32, #tpu.memory_space<hbm>>
      %dma_start3A_226 = tpu.memref_squeeze %dma_start3A_225 : memref<1x256xi32, #tpu.memory_space<hbm>> -> memref<256xi32, #tpu.memory_space<hbm>>
      tpu.enqueue_dma source(%dma_start3A_226 : memref<256xi32, #tpu.memory_space<hbm>>) target(%arg5 : memref<256xi32, #tpu.memory_space<vmem>>) target_semaphore(%run_scoped3A : memref<!tpu.dma_semaphore, #tpu.memory_space<semaphore_mem>>)
      %dma_wait3A_227 = tpu.memref_slice %arg2[%select_n3A_9, %mul3A_32] : memref<4x2048xi32, #tpu.memory_space<hbm>> -> memref<1x256xi32, #tpu.memory_space<hbm>>
      %dma_wait3A_228 = tpu.memref_squeeze %dma_wait3A_227 : memref<1x256xi32, #tpu.memory_space<hbm>> -> memref<256xi32, #tpu.memory_space<hbm>>
      %dma_wait3A_229 = tpu.memref_slice %arg2[%select_n3A_9, %mul3A_32] : memref<4x2048xi32, #tpu.memory_space<hbm>> -> memref<1x256xi32, #tpu.memory_space<hbm>>
      %dma_wait3A_230 = tpu.memref_squeeze %dma_wait3A_229 : memref<1x256xi32, #tpu.memory_space<hbm>> -> memref<256xi32, #tpu.memory_space<hbm>>
      tpu.wait_dma2 semaphore(%run_scoped3A : memref<!tpu.dma_semaphore, #tpu.memory_space<semaphore_mem>>) src(%dma_wait3A_230 : memref<256xi32, #tpu.memory_space<hbm>>) dst(%arg5 : memref<256xi32, #tpu.memory_space<vmem>>)
      tpu.yield
    }) : () -> ()
    %dma_start3A = arith.constant 0 : i32
    %dma_start3A_33 = tpu.memref_slice %arg5[%dma_start3A] : memref<256xi32, #tpu.memory_space<vmem>> -> memref<32xi32, #tpu.memory_space<vmem>>
    %dma_start3A_34 = arith.constant 0 : i32
    %dma_start3A_35 = arith.constant 0 : i32
    %dma_start3A_36 = tpu.memref_slice %arg3[%dma_start3A_34, %dma_start3A_35] : memref<100000x1024xf32, #tpu.memory_space<hbm>> -> memref<100000x1024xf32, #tpu.memory_space<hbm>>
    tpu.enqueue_indirect_dma source(%dma_start3A_36 : memref<100000x1024xf32, #tpu.memory_space<hbm>>) target(%arg6 : memref<32x1024xf32, #tpu.memory_space<vmem>>) offsets(%dma_start3A_33 : memref<32xi32, #tpu.memory_space<vmem>>) semaphore(%arg9 : memref<!tpu.dma_semaphore, #tpu.memory_space<semaphore_mem>>)
    %dma_start3A_37 = arith.constant 32 : i32
    %dma_start3A_38 = tpu.memref_slice %arg5[%dma_start3A_37] : memref<256xi32, #tpu.memory_space<vmem>> -> memref<32xi32, #tpu.memory_space<vmem>>
    %dma_start3A_39 = arith.constant 0 : i32
    %dma_start3A_40 = arith.constant 0 : i32
    %dma_start3A_41 = tpu.memref_slice %arg3[%dma_start3A_39, %dma_start3A_40] : memref<100000x1024xf32, #tpu.memory_space<hbm>> -> memref<100000x1024xf32, #tpu.memory_space<hbm>>
    tpu.enqueue_indirect_dma source(%dma_start3A_41 : memref<100000x1024xf32, #tpu.memory_space<hbm>>) target(%arg7 : memref<32x1024xf32, #tpu.memory_space<vmem>>) offsets(%dma_start3A_38 : memref<32xi32, #tpu.memory_space<vmem>>) semaphore(%arg10 : memref<!tpu.dma_semaphore, #tpu.memory_space<semaphore_mem>>)
    %dma_start3A_42 = arith.constant 64 : i32
    %dma_start3A_43 = tpu.memref_slice %arg5[%dma_start3A_42] : memref<256xi32, #tpu.memory_space<vmem>> -> memref<32xi32, #tpu.memory_space<vmem>>
    %dma_start3A_44 = arith.constant 0 : i32
    %dma_start3A_45 = arith.constant 0 : i32
    %dma_start3A_46 = tpu.memref_slice %arg3[%dma_start3A_44, %dma_start3A_45] : memref<100000x1024xf32, #tpu.memory_space<hbm>> -> memref<100000x1024xf32, #tpu.memory_space<hbm>>
    tpu.enqueue_indirect_dma source(%dma_start3A_46 : memref<100000x1024xf32, #tpu.memory_space<hbm>>) target(%arg8 : memref<32x1024xf32, #tpu.memory_space<vmem>>) offsets(%dma_start3A_43 : memref<32xi32, #tpu.memory_space<vmem>>) semaphore(%arg11 : memref<!tpu.dma_semaphore, #tpu.memory_space<semaphore_mem>>)
    %dma_wait3A = arith.constant 0 : i32
    %dma_wait3A_47 = tpu.memref_slice %arg5[%dma_wait3A] : memref<256xi32, #tpu.memory_space<vmem>> -> memref<32xi32, #tpu.memory_space<vmem>>
    %dma_wait3A_48 = arith.constant 0 : i32
    %dma_wait3A_49 = arith.constant 0 : i32
    %dma_wait3A_50 = tpu.memref_slice %arg3[%dma_wait3A_48, %dma_wait3A_49] : memref<100000x1024xf32, #tpu.memory_space<hbm>> -> memref<100000x1024xf32, #tpu.memory_space<hbm>>
    tpu.wait_indirect_dma semaphore(%arg9 : memref<!tpu.dma_semaphore, #tpu.memory_space<semaphore_mem>>) src(%dma_wait3A_50 : memref<100000x1024xf32, #tpu.memory_space<hbm>>) dst(%arg6 : memref<32x1024xf32, #tpu.memory_space<vmem>>)
    %add3A_51 = arith.constant 0 : i32
    %add3A_52 = arith.addi %mul3A_32, %add3A_51 : i32
    %dma_start3A_53 = arith.constant 0 : i32
    %dma_start3A_54 = tpu.memref_slice %arg4[%add3A_52, %select_n3A_9, %dma_start3A_53] : memref<2048x4x1024xf32, #tpu.memory_space<hbm>> -> memref<32x1x1024xf32, #tpu.memory_space<hbm>>
    %dma_start3A_55 = tpu.memref_squeeze %dma_start3A_54 : memref<32x1x1024xf32, #tpu.memory_space<hbm>> -> memref<32x1024xf32, #tpu.memory_space<hbm>>
    %dma_start3A_56 = arith.constant 0 : i32
    %dma_start3A_57 = tpu.memref_slice %arg4[%add3A_52, %select_n3A_9, %dma_start3A_56] : memref<2048x4x1024xf32, #tpu.memory_space<hbm>> -> memref<32x1x1024xf32, #tpu.memory_space<hbm>>
    %dma_start3A_58 = tpu.memref_squeeze %dma_start3A_57 : memref<32x1x1024xf32, #tpu.memory_space<hbm>> -> memref<32x1024xf32, #tpu.memory_space<hbm>>
    tpu.enqueue_dma source(%arg6 : memref<32x1024xf32, #tpu.memory_space<vmem>>) target(%dma_start3A_58 : memref<32x1024xf32, #tpu.memory_space<hbm>>) target_semaphore(%arg12 : memref<!tpu.dma_semaphore, #tpu.memory_space<semaphore_mem>>)
    %dma_wait3A_59 = arith.constant 0 : i32
    %dma_wait3A_60 = tpu.memref_slice %arg4[%add3A_52, %select_n3A_9, %dma_wait3A_59] : memref<2048x4x1024xf32, #tpu.memory_space<hbm>> -> memref<32x1x1024xf32, #tpu.memory_space<hbm>>
    %dma_wait3A_61 = tpu.memref_squeeze %dma_wait3A_60 : memref<32x1x1024xf32, #tpu.memory_space<hbm>> -> memref<32x1024xf32, #tpu.memory_space<hbm>>
    %dma_wait3A_62 = arith.constant 0 : i32
    %dma_wait3A_63 = tpu.memref_slice %arg4[%add3A_52, %select_n3A_9, %dma_wait3A_62] : memref<2048x4x1024xf32, #tpu.memory_space<hbm>> -> memref<32x1x1024xf32, #tpu.memory_space<hbm>>
    %dma_wait3A_64 = tpu.memref_squeeze %dma_wait3A_63 : memref<32x1x1024xf32, #tpu.memory_space<hbm>> -> memref<32x1024xf32, #tpu.memory_space<hbm>>
    tpu.wait_dma2 semaphore(%arg12 : memref<!tpu.dma_semaphore, #tpu.memory_space<semaphore_mem>>) src(%arg6 : memref<32x1024xf32, #tpu.memory_space<vmem>>) dst(%dma_wait3A_64 : memref<32x1024xf32, #tpu.memory_space<hbm>>)
    %dma_start3A_65 = arith.constant 96 : i32
    %dma_start3A_66 = tpu.memref_slice %arg5[%dma_start3A_65] : memref<256xi32, #tpu.memory_space<vmem>> -> memref<32xi32, #tpu.memory_space<vmem>>
    %dma_start3A_67 = arith.constant 0 : i32
    %dma_start3A_68 = arith.constant 0 : i32
    %dma_start3A_69 = tpu.memref_slice %arg3[%dma_start3A_67, %dma_start3A_68] : memref<100000x1024xf32, #tpu.memory_space<hbm>> -> memref<100000x1024xf32, #tpu.memory_space<hbm>>
    tpu.enqueue_indirect_dma source(%dma_start3A_69 : memref<100000x1024xf32, #tpu.memory_space<hbm>>) target(%arg6 : memref<32x1024xf32, #tpu.memory_space<vmem>>) offsets(%dma_start3A_66 : memref<32xi32, #tpu.memory_space<vmem>>) semaphore(%arg9 : memref<!tpu.dma_semaphore, #tpu.memory_space<semaphore_mem>>)
    %dma_wait3A_70 = arith.constant 32 : i32
    %dma_wait3A_71 = tpu.memref_slice %arg5[%dma_wait3A_70] : memref<256xi32, #tpu.memory_space<vmem>> -> memref<32xi32, #tpu.memory_space<vmem>>
    %dma_wait3A_72 = arith.constant 0 : i32
    %dma_wait3A_73 = arith.constant 0 : i32
    %dma_wait3A_74 = tpu.memref_slice %arg3[%dma_wait3A_72, %dma_wait3A_73] : memref<100000x1024xf32, #tpu.memory_space<hbm>> -> memref<100000x1024xf32, #tpu.memory_space<hbm>>
    tpu.wait_indirect_dma semaphore(%arg10 : memref<!tpu.dma_semaphore, #tpu.memory_space<semaphore_mem>>) src(%dma_wait3A_74 : memref<100000x1024xf32, #tpu.memory_space<hbm>>) dst(%arg7 : memref<32x1024xf32, #tpu.memory_space<vmem>>)
    %add3A_75 = arith.constant 32 : i32
    %add3A_76 = arith.addi %mul3A_32, %add3A_75 : i32
    %dma_start3A_77 = arith.constant 0 : i32
    %dma_start3A_78 = tpu.memref_slice %arg4[%add3A_76, %select_n3A_9, %dma_start3A_77] : memref<2048x4x1024xf32, #tpu.memory_space<hbm>> -> memref<32x1x1024xf32, #tpu.memory_space<hbm>>
    %dma_start3A_79 = tpu.memref_squeeze %dma_start3A_78 : memref<32x1x1024xf32, #tpu.memory_space<hbm>> -> memref<32x1024xf32, #tpu.memory_space<hbm>>
    %dma_start3A_80 = arith.constant 0 : i32
    %dma_start3A_81 = tpu.memref_slice %arg4[%add3A_76, %select_n3A_9, %dma_start3A_80] : memref<2048x4x1024xf32, #tpu.memory_space<hbm>> -> memref<32x1x1024xf32, #tpu.memory_space<hbm>>
    %dma_start3A_82 = tpu.memref_squeeze %dma_start3A_81 : memref<32x1x1024xf32, #tpu.memory_space<hbm>> -> memref<32x1024xf32, #tpu.memory_space<hbm>>
    tpu.enqueue_dma source(%arg7 : memref<32x1024xf32, #tpu.memory_space<vmem>>) target(%dma_start3A_82 : memref<32x1024xf32, #tpu.memory_space<hbm>>) target_semaphore(%arg13 : memref<!tpu.dma_semaphore, #tpu.memory_space<semaphore_mem>>)
    %dma_wait3A_83 = arith.constant 0 : i32
    %dma_wait3A_84 = tpu.memref_slice %arg4[%add3A_76, %select_n3A_9, %dma_wait3A_83] : memref<2048x4x1024xf32, #tpu.memory_space<hbm>> -> memref<32x1x1024xf32, #tpu.memory_space<hbm>>
    %dma_wait3A_85 = tpu.memref_squeeze %dma_wait3A_84 : memref<32x1x1024xf32, #tpu.memory_space<hbm>> -> memref<32x1024xf32, #tpu.memory_space<hbm>>
    %dma_wait3A_86 = arith.constant 0 : i32
    %dma_wait3A_87 = tpu.memref_slice %arg4[%add3A_76, %select_n3A_9, %dma_wait3A_86] : memref<2048x4x1024xf32, #tpu.memory_space<hbm>> -> memref<32x1x1024xf32, #tpu.memory_space<hbm>>
    %dma_wait3A_88 = tpu.memref_squeeze %dma_wait3A_87 : memref<32x1x1024xf32, #tpu.memory_space<hbm>> -> memref<32x1024xf32, #tpu.memory_space<hbm>>
    tpu.wait_dma2 semaphore(%arg13 : memref<!tpu.dma_semaphore, #tpu.memory_space<semaphore_mem>>) src(%arg7 : memref<32x1024xf32, #tpu.memory_space<vmem>>) dst(%dma_wait3A_88 : memref<32x1024xf32, #tpu.memory_space<hbm>>)
    %dma_start3A_89 = arith.constant 128 : i32
    %dma_start3A_90 = tpu.memref_slice %arg5[%dma_start3A_89] : memref<256xi32, #tpu.memory_space<vmem>> -> memref<32xi32, #tpu.memory_space<vmem>>
    %dma_start3A_91 = arith.constant 0 : i32
    %dma_start3A_92 = arith.constant 0 : i32
    %dma_start3A_93 = tpu.memref_slice %arg3[%dma_start3A_91, %dma_start3A_92] : memref<100000x1024xf32, #tpu.memory_space<hbm>> -> memref<100000x1024xf32, #tpu.memory_space<hbm>>
    tpu.enqueue_indirect_dma source(%dma_start3A_93 : memref<100000x1024xf32, #tpu.memory_space<hbm>>) target(%arg7 : memref<32x1024xf32, #tpu.memory_space<vmem>>) offsets(%dma_start3A_90 : memref<32xi32, #tpu.memory_space<vmem>>) semaphore(%arg10 : memref<!tpu.dma_semaphore, #tpu.memory_space<semaphore_mem>>)
    %dma_wait3A_94 = arith.constant 64 : i32
    %dma_wait3A_95 = tpu.memref_slice %arg5[%dma_wait3A_94] : memref<256xi32, #tpu.memory_space<vmem>> -> memref<32xi32, #tpu.memory_space<vmem>>
    %dma_wait3A_96 = arith.constant 0 : i32
    %dma_wait3A_97 = arith.constant 0 : i32
    %dma_wait3A_98 = tpu.memref_slice %arg3[%dma_wait3A_96, %dma_wait3A_97] : memref<100000x1024xf32, #tpu.memory_space<hbm>> -> memref<100000x1024xf32, #tpu.memory_space<hbm>>
    tpu.wait_indirect_dma semaphore(%arg11 : memref<!tpu.dma_semaphore, #tpu.memory_space<semaphore_mem>>) src(%dma_wait3A_98 : memref<100000x1024xf32, #tpu.memory_space<hbm>>) dst(%arg8 : memref<32x1024xf32, #tpu.memory_space<vmem>>)
    %add3A_99 = arith.constant 64 : i32
    %add3A_100 = arith.addi %mul3A_32, %add3A_99 : i32
    %dma_start3A_101 = arith.constant 0 : i32
    %dma_start3A_102 = tpu.memref_slice %arg4[%add3A_100, %select_n3A_9, %dma_start3A_101] : memref<2048x4x1024xf32, #tpu.memory_space<hbm>> -> memref<32x1x1024xf32, #tpu.memory_space<hbm>>
    %dma_start3A_103 = tpu.memref_squeeze %dma_start3A_102 : memref<32x1x1024xf32, #tpu.memory_space<hbm>> -> memref<32x1024xf32, #tpu.memory_space<hbm>>
    %dma_start3A_104 = arith.constant 0 : i32
    %dma_start3A_105 = tpu.memref_slice %arg4[%add3A_100, %select_n3A_9, %dma_start3A_104] : memref<2048x4x1024xf32, #tpu.memory_space<hbm>> -> memref<32x1x1024xf32, #tpu.memory_space<hbm>>
    %dma_start3A_106 = tpu.memref_squeeze %dma_start3A_105 : memref<32x1x1024xf32, #tpu.memory_space<hbm>> -> memref<32x1024xf32, #tpu.memory_space<hbm>>
    tpu.enqueue_dma source(%arg8 : memref<32x1024xf32, #tpu.memory_space<vmem>>) target(%dma_start3A_106 : memref<32x1024xf32, #tpu.memory_space<hbm>>) target_semaphore(%arg14 : memref<!tpu.dma_semaphore, #tpu.memory_space<semaphore_mem>>)
    %dma_wait3A_107 = arith.constant 0 : i32
    %dma_wait3A_108 = tpu.memref_slice %arg4[%add3A_100, %select_n3A_9, %dma_wait3A_107] : memref<2048x4x1024xf32, #tpu.memory_space<hbm>> -> memref<32x1x1024xf32, #tpu.memory_space<hbm>>
    %dma_wait3A_109 = tpu.memref_squeeze %dma_wait3A_108 : memref<32x1x1024xf32, #tpu.memory_space<hbm>> -> memref<32x1024xf32, #tpu.memory_space<hbm>>
    %dma_wait3A_110 = arith.constant 0 : i32
    %dma_wait3A_111 = tpu.memref_slice %arg4[%add3A_100, %select_n3A_9, %dma_wait3A_110] : memref<2048x4x1024xf32, #tpu.memory_space<hbm>> -> memref<32x1x1024xf32, #tpu.memory_space<hbm>>
    %dma_wait3A_112 = tpu.memref_squeeze %dma_wait3A_111 : memref<32x1x1024xf32, #tpu.memory_space<hbm>> -> memref<32x1024xf32, #tpu.memory_space<hbm>>
    tpu.wait_dma2 semaphore(%arg14 : memref<!tpu.dma_semaphore, #tpu.memory_space<semaphore_mem>>) src(%arg8 : memref<32x1024xf32, #tpu.memory_space<vmem>>) dst(%dma_wait3A_112 : memref<32x1024xf32, #tpu.memory_space<hbm>>)
    %dma_start3A_113 = arith.constant 160 : i32
    %dma_start3A_114 = tpu.memref_slice %arg5[%dma_start3A_113] : memref<256xi32, #tpu.memory_space<vmem>> -> memref<32xi32, #tpu.memory_space<vmem>>
    %dma_start3A_115 = arith.constant 0 : i32
    %dma_start3A_116 = arith.constant 0 : i32
    %dma_start3A_117 = tpu.memref_slice %arg3[%dma_start3A_115, %dma_start3A_116] : memref<100000x1024xf32, #tpu.memory_space<hbm>> -> memref<100000x1024xf32, #tpu.memory_space<hbm>>
    tpu.enqueue_indirect_dma source(%dma_start3A_117 : memref<100000x1024xf32, #tpu.memory_space<hbm>>) target(%arg8 : memref<32x1024xf32, #tpu.memory_space<vmem>>) offsets(%dma_start3A_114 : memref<32xi32, #tpu.memory_space<vmem>>) semaphore(%arg11 : memref<!tpu.dma_semaphore, #tpu.memory_space<semaphore_mem>>)
    %dma_wait3A_118 = arith.constant 96 : i32
    %dma_wait3A_119 = tpu.memref_slice %arg5[%dma_wait3A_118] : memref<256xi32, #tpu.memory_space<vmem>> -> memref<32xi32, #tpu.memory_space<vmem>>
    %dma_wait3A_120 = arith.constant 0 : i32
    %dma_wait3A_121 = arith.constant 0 : i32
    %dma_wait3A_122 = tpu.memref_slice %arg3[%dma_wait3A_120, %dma_wait3A_121] : memref<100000x1024xf32, #tpu.memory_space<hbm>> -> memref<100000x1024xf32, #tpu.memory_space<hbm>>
    tpu.wait_indirect_dma semaphore(%arg9 : memref<!tpu.dma_semaphore, #tpu.memory_space<semaphore_mem>>) src(%dma_wait3A_122 : memref<100000x1024xf32, #tpu.memory_space<hbm>>) dst(%arg6 : memref<32x1024xf32, #tpu.memory_space<vmem>>)
    %add3A_123 = arith.constant 96 : i32
    %add3A_124 = arith.addi %mul3A_32, %add3A_123 : i32
    %dma_start3A_125 = arith.constant 0 : i32
    %dma_start3A_126 = tpu.memref_slice %arg4[%add3A_124, %select_n3A_9, %dma_start3A_125] : memref<2048x4x1024xf32, #tpu.memory_space<hbm>> -> memref<32x1x1024xf32, #tpu.memory_space<hbm>>
    %dma_start3A_127 = tpu.memref_squeeze %dma_start3A_126 : memref<32x1x1024xf32, #tpu.memory_space<hbm>> -> memref<32x1024xf32, #tpu.memory_space<hbm>>
    %dma_start3A_128 = arith.constant 0 : i32
    %dma_start3A_129 = tpu.memref_slice %arg4[%add3A_124, %select_n3A_9, %dma_start3A_128] : memref<2048x4x1024xf32, #tpu.memory_space<hbm>> -> memref<32x1x1024xf32, #tpu.memory_space<hbm>>
    %dma_start3A_130 = tpu.memref_squeeze %dma_start3A_129 : memref<32x1x1024xf32, #tpu.memory_space<hbm>> -> memref<32x1024xf32, #tpu.memory_space<hbm>>
    tpu.enqueue_dma source(%arg6 : memref<32x1024xf32, #tpu.memory_space<vmem>>) target(%dma_start3A_130 : memref<32x1024xf32, #tpu.memory_space<hbm>>) target_semaphore(%arg12 : memref<!tpu.dma_semaphore, #tpu.memory_space<semaphore_mem>>)
    %dma_wait3A_131 = arith.constant 0 : i32
    %dma_wait3A_132 = tpu.memref_slice %arg4[%add3A_124, %select_n3A_9, %dma_wait3A_131] : memref<2048x4x1024xf32, #tpu.memory_space<hbm>> -> memref<32x1x1024xf32, #tpu.memory_space<hbm>>
    %dma_wait3A_133 = tpu.memref_squeeze %dma_wait3A_132 : memref<32x1x1024xf32, #tpu.memory_space<hbm>> -> memref<32x1024xf32, #tpu.memory_space<hbm>>
    %dma_wait3A_134 = arith.constant 0 : i32
    %dma_wait3A_135 = tpu.memref_slice %arg4[%add3A_124, %select_n3A_9, %dma_wait3A_134] : memref<2048x4x1024xf32, #tpu.memory_space<hbm>> -> memref<32x1x1024xf32, #tpu.memory_space<hbm>>
    %dma_wait3A_136 = tpu.memref_squeeze %dma_wait3A_135 : memref<32x1x1024xf32, #tpu.memory_space<hbm>> -> memref<32x1024xf32, #tpu.memory_space<hbm>>
    tpu.wait_dma2 semaphore(%arg12 : memref<!tpu.dma_semaphore, #tpu.memory_space<semaphore_mem>>) src(%arg6 : memref<32x1024xf32, #tpu.memory_space<vmem>>) dst(%dma_wait3A_136 : memref<32x1024xf32, #tpu.memory_space<hbm>>)
    %dma_start3A_137 = arith.constant 192 : i32
    %dma_start3A_138 = tpu.memref_slice %arg5[%dma_start3A_137] : memref<256xi32, #tpu.memory_space<vmem>> -> memref<32xi32, #tpu.memory_space<vmem>>
    %dma_start3A_139 = arith.constant 0 : i32
    %dma_start3A_140 = arith.constant 0 : i32
    %dma_start3A_141 = tpu.memref_slice %arg3[%dma_start3A_139, %dma_start3A_140] : memref<100000x1024xf32, #tpu.memory_space<hbm>> -> memref<100000x1024xf32, #tpu.memory_space<hbm>>
    tpu.enqueue_indirect_dma source(%dma_start3A_141 : memref<100000x1024xf32, #tpu.memory_space<hbm>>) target(%arg6 : memref<32x1024xf32, #tpu.memory_space<vmem>>) offsets(%dma_start3A_138 : memref<32xi32, #tpu.memory_space<vmem>>) semaphore(%arg9 : memref<!tpu.dma_semaphore, #tpu.memory_space<semaphore_mem>>)
    %dma_wait3A_142 = arith.constant 128 : i32
    %dma_wait3A_143 = tpu.memref_slice %arg5[%dma_wait3A_142] : memref<256xi32, #tpu.memory_space<vmem>> -> memref<32xi32, #tpu.memory_space<vmem>>
    %dma_wait3A_144 = arith.constant 0 : i32
    %dma_wait3A_145 = arith.constant 0 : i32
    %dma_wait3A_146 = tpu.memref_slice %arg3[%dma_wait3A_144, %dma_wait3A_145] : memref<100000x1024xf32, #tpu.memory_space<hbm>> -> memref<100000x1024xf32, #tpu.memory_space<hbm>>
    tpu.wait_indirect_dma semaphore(%arg10 : memref<!tpu.dma_semaphore, #tpu.memory_space<semaphore_mem>>) src(%dma_wait3A_146 : memref<100000x1024xf32, #tpu.memory_space<hbm>>) dst(%arg7 : memref<32x1024xf32, #tpu.memory_space<vmem>>)
    %add3A_147 = arith.constant 128 : i32
    %add3A_148 = arith.addi %mul3A_32, %add3A_147 : i32
    %dma_start3A_149 = arith.constant 0 : i32
    %dma_start3A_150 = tpu.memref_slice %arg4[%add3A_148, %select_n3A_9, %dma_start3A_149] : memref<2048x4x1024xf32, #tpu.memory_space<hbm>> -> memref<32x1x1024xf32, #tpu.memory_space<hbm>>
    %dma_start3A_151 = tpu.memref_squeeze %dma_start3A_150 : memref<32x1x1024xf32, #tpu.memory_space<hbm>> -> memref<32x1024xf32, #tpu.memory_space<hbm>>
    %dma_start3A_152 = arith.constant 0 : i32
    %dma_start3A_153 = tpu.memref_slice %arg4[%add3A_148, %select_n3A_9, %dma_start3A_152] : memref<2048x4x1024xf32, #tpu.memory_space<hbm>> -> memref<32x1x1024xf32, #tpu.memory_space<hbm>>
    %dma_start3A_154 = tpu.memref_squeeze %dma_start3A_153 : memref<32x1x1024xf32, #tpu.memory_space<hbm>> -> memref<32x1024xf32, #tpu.memory_space<hbm>>
    tpu.enqueue_dma source(%arg7 : memref<32x1024xf32, #tpu.memory_space<vmem>>) target(%dma_start3A_154 : memref<32x1024xf32, #tpu.memory_space<hbm>>) target_semaphore(%arg13 : memref<!tpu.dma_semaphore, #tpu.memory_space<semaphore_mem>>)
    %dma_wait3A_155 = arith.constant 0 : i32
    %dma_wait3A_156 = tpu.memref_slice %arg4[%add3A_148, %select_n3A_9, %dma_wait3A_155] : memref<2048x4x1024xf32, #tpu.memory_space<hbm>> -> memref<32x1x1024xf32, #tpu.memory_space<hbm>>
    %dma_wait3A_157 = tpu.memref_squeeze %dma_wait3A_156 : memref<32x1x1024xf32, #tpu.memory_space<hbm>> -> memref<32x1024xf32, #tpu.memory_space<hbm>>
    %dma_wait3A_158 = arith.constant 0 : i32
    %dma_wait3A_159 = tpu.memref_slice %arg4[%add3A_148, %select_n3A_9, %dma_wait3A_158] : memref<2048x4x1024xf32, #tpu.memory_space<hbm>> -> memref<32x1x1024xf32, #tpu.memory_space<hbm>>
    %dma_wait3A_160 = tpu.memref_squeeze %dma_wait3A_159 : memref<32x1x1024xf32, #tpu.memory_space<hbm>> -> memref<32x1024xf32, #tpu.memory_space<hbm>>
    tpu.wait_dma2 semaphore(%arg13 : memref<!tpu.dma_semaphore, #tpu.memory_space<semaphore_mem>>) src(%arg7 : memref<32x1024xf32, #tpu.memory_space<vmem>>) dst(%dma_wait3A_160 : memref<32x1024xf32, #tpu.memory_space<hbm>>)
    %dma_start3A_161 = arith.constant 224 : i32
    %dma_start3A_162 = tpu.memref_slice %arg5[%dma_start3A_161] : memref<256xi32, #tpu.memory_space<vmem>> -> memref<32xi32, #tpu.memory_space<vmem>>
    %dma_start3A_163 = arith.constant 0 : i32
    %dma_start3A_164 = arith.constant 0 : i32
    %dma_start3A_165 = tpu.memref_slice %arg3[%dma_start3A_163, %dma_start3A_164] : memref<100000x1024xf32, #tpu.memory_space<hbm>> -> memref<100000x1024xf32, #tpu.memory_space<hbm>>
    tpu.enqueue_indirect_dma source(%dma_start3A_165 : memref<100000x1024xf32, #tpu.memory_space<hbm>>) target(%arg7 : memref<32x1024xf32, #tpu.memory_space<vmem>>) offsets(%dma_start3A_162 : memref<32xi32, #tpu.memory_space<vmem>>) semaphore(%arg10 : memref<!tpu.dma_semaphore, #tpu.memory_space<semaphore_mem>>)
    %dma_wait3A_166 = arith.constant 160 : i32
    %dma_wait3A_167 = tpu.memref_slice %arg5[%dma_wait3A_166] : memref<256xi32, #tpu.memory_space<vmem>> -> memref<32xi32, #tpu.memory_space<vmem>>
    %dma_wait3A_168 = arith.constant 0 : i32
    %dma_wait3A_169 = arith.constant 0 : i32
    %dma_wait3A_170 = tpu.memref_slice %arg3[%dma_wait3A_168, %dma_wait3A_169] : memref<100000x1024xf32, #tpu.memory_space<hbm>> -> memref<100000x1024xf32, #tpu.memory_space<hbm>>
    tpu.wait_indirect_dma semaphore(%arg11 : memref<!tpu.dma_semaphore, #tpu.memory_space<semaphore_mem>>) src(%dma_wait3A_170 : memref<100000x1024xf32, #tpu.memory_space<hbm>>) dst(%arg8 : memref<32x1024xf32, #tpu.memory_space<vmem>>)
    %add3A_171 = arith.constant 160 : i32
    %add3A_172 = arith.addi %mul3A_32, %add3A_171 : i32
    %dma_start3A_173 = arith.constant 0 : i32
    %dma_start3A_174 = tpu.memref_slice %arg4[%add3A_172, %select_n3A_9, %dma_start3A_173] : memref<2048x4x1024xf32, #tpu.memory_space<hbm>> -> memref<32x1x1024xf32, #tpu.memory_space<hbm>>
    %dma_start3A_175 = tpu.memref_squeeze %dma_start3A_174 : memref<32x1x1024xf32, #tpu.memory_space<hbm>> -> memref<32x1024xf32, #tpu.memory_space<hbm>>
    %dma_start3A_176 = arith.constant 0 : i32
    %dma_start3A_177 = tpu.memref_slice %arg4[%add3A_172, %select_n3A_9, %dma_start3A_176] : memref<2048x4x1024xf32, #tpu.memory_space<hbm>> -> memref<32x1x1024xf32, #tpu.memory_space<hbm>>
    %dma_start3A_178 = tpu.memref_squeeze %dma_start3A_177 : memref<32x1x1024xf32, #tpu.memory_space<hbm>> -> memref<32x1024xf32, #tpu.memory_space<hbm>>
    tpu.enqueue_dma source(%arg8 : memref<32x1024xf32, #tpu.memory_space<vmem>>) target(%dma_start3A_178 : memref<32x1024xf32, #tpu.memory_space<hbm>>) target_semaphore(%arg14 : memref<!tpu.dma_semaphore, #tpu.memory_space<semaphore_mem>>)
    %dma_wait3A_179 = arith.constant 192 : i32
    %dma_wait3A_180 = tpu.memref_slice %arg5[%dma_wait3A_179] : memref<256xi32, #tpu.memory_space<vmem>> -> memref<32xi32, #tpu.memory_space<vmem>>
    %dma_wait3A_181 = arith.constant 0 : i32
    %dma_wait3A_182 = arith.constant 0 : i32
    %dma_wait3A_183 = tpu.memref_slice %arg3[%dma_wait3A_181, %dma_wait3A_182] : memref<100000x1024xf32, #tpu.memory_space<hbm>> -> memref<100000x1024xf32, #tpu.memory_space<hbm>>
    tpu.wait_indirect_dma semaphore(%arg9 : memref<!tpu.dma_semaphore, #tpu.memory_space<semaphore_mem>>) src(%dma_wait3A_183 : memref<100000x1024xf32, #tpu.memory_space<hbm>>) dst(%arg6 : memref<32x1024xf32, #tpu.memory_space<vmem>>)
    %add3A_184 = arith.constant 192 : i32
    %add3A_185 = arith.addi %mul3A_32, %add3A_184 : i32
    %dma_start3A_186 = arith.constant 0 : i32
    %dma_start3A_187 = tpu.memref_slice %arg4[%add3A_185, %select_n3A_9, %dma_start3A_186] : memref<2048x4x1024xf32, #tpu.memory_space<hbm>> -> memref<32x1x1024xf32, #tpu.memory_space<hbm>>
    %dma_start3A_188 = tpu.memref_squeeze %dma_start3A_187 : memref<32x1x1024xf32, #tpu.memory_space<hbm>> -> memref<32x1024xf32, #tpu.memory_space<hbm>>
    %dma_start3A_189 = arith.constant 0 : i32
    %dma_start3A_190 = tpu.memref_slice %arg4[%add3A_185, %select_n3A_9, %dma_start3A_189] : memref<2048x4x1024xf32, #tpu.memory_space<hbm>> -> memref<32x1x1024xf32, #tpu.memory_space<hbm>>
    %dma_start3A_191 = tpu.memref_squeeze %dma_start3A_190 : memref<32x1x1024xf32, #tpu.memory_space<hbm>> -> memref<32x1024xf32, #tpu.memory_space<hbm>>
    tpu.enqueue_dma source(%arg6 : memref<32x1024xf32, #tpu.memory_space<vmem>>) target(%dma_start3A_191 : memref<32x1024xf32, #tpu.memory_space<hbm>>) target_semaphore(%arg12 : memref<!tpu.dma_semaphore, #tpu.memory_space<semaphore_mem>>)
    %dma_wait3A_192 = arith.constant 224 : i32
    %dma_wait3A_193 = tpu.memref_slice %arg5[%dma_wait3A_192] : memref<256xi32, #tpu.memory_space<vmem>> -> memref<32xi32, #tpu.memory_space<vmem>>
    %dma_wait3A_194 = arith.constant 0 : i32
    %dma_wait3A_195 = arith.constant 0 : i32
    %dma_wait3A_196 = tpu.memref_slice %arg3[%dma_wait3A_194, %dma_wait3A_195] : memref<100000x1024xf32, #tpu.memory_space<hbm>> -> memref<100000x1024xf32, #tpu.memory_space<hbm>>
    tpu.wait_indirect_dma semaphore(%arg10 : memref<!tpu.dma_semaphore, #tpu.memory_space<semaphore_mem>>) src(%dma_wait3A_196 : memref<100000x1024xf32, #tpu.memory_space<hbm>>) dst(%arg7 : memref<32x1024xf32, #tpu.memory_space<vmem>>)
    %add3A_197 = arith.constant 224 : i32
    %add3A_198 = arith.addi %mul3A_32, %add3A_197 : i32
    %dma_start3A_199 = arith.constant 0 : i32
    %dma_start3A_200 = tpu.memref_slice %arg4[%add3A_198, %select_n3A_9, %dma_start3A_199] : memref<2048x4x1024xf32, #tpu.memory_space<hbm>> -> memref<32x1x1024xf32, #tpu.memory_space<hbm>>
    %dma_start3A_201 = tpu.memref_squeeze %dma_start3A_200 : memref<32x1x1024xf32, #tpu.memory_space<hbm>> -> memref<32x1024xf32, #tpu.memory_space<hbm>>
    %dma_start3A_202 = arith.constant 0 : i32
    %dma_start3A_203 = tpu.memref_slice %arg4[%add3A_198, %select_n3A_9, %dma_start3A_202] : memref<2048x4x1024xf32, #tpu.memory_space<hbm>> -> memref<32x1x1024xf32, #tpu.memory_space<hbm>>
    %dma_start3A_204 = tpu.memref_squeeze %dma_start3A_203 : memref<32x1x1024xf32, #tpu.memory_space<hbm>> -> memref<32x1024xf32, #tpu.memory_space<hbm>>
    tpu.enqueue_dma source(%arg7 : memref<32x1024xf32, #tpu.memory_space<vmem>>) target(%dma_start3A_204 : memref<32x1024xf32, #tpu.memory_space<hbm>>) target_semaphore(%arg13 : memref<!tpu.dma_semaphore, #tpu.memory_space<semaphore_mem>>)
    %dma_wait3A_205 = arith.constant 0 : i32
    %dma_wait3A_206 = tpu.memref_slice %arg4[%add3A_185, %select_n3A_9, %dma_wait3A_205] : memref<2048x4x1024xf32, #tpu.memory_space<hbm>> -> memref<32x1x1024xf32, #tpu.memory_space<hbm>>
    %dma_wait3A_207 = tpu.memref_squeeze %dma_wait3A_206 : memref<32x1x1024xf32, #tpu.memory_space<hbm>> -> memref<32x1024xf32, #tpu.memory_space<hbm>>
    %dma_wait3A_208 = arith.constant 0 : i32
    %dma_wait3A_209 = tpu.memref_slice %arg4[%add3A_185, %select_n3A_9, %dma_wait3A_208] : memref<2048x4x1024xf32, #tpu.memory_space<hbm>> -> memref<32x1x1024xf32, #tpu.memory_space<hbm>>
    %dma_wait3A_210 = tpu.memref_squeeze %dma_wait3A_209 : memref<32x1x1024xf32, #tpu.memory_space<hbm>> -> memref<32x1024xf32, #tpu.memory_space<hbm>>
    tpu.wait_dma2 semaphore(%arg12 : memref<!tpu.dma_semaphore, #tpu.memory_space<semaphore_mem>>) src(%arg6 : memref<32x1024xf32, #tpu.memory_space<vmem>>) dst(%dma_wait3A_210 : memref<32x1024xf32, #tpu.memory_space<hbm>>)
    %dma_wait3A_211 = arith.constant 0 : i32
    %dma_wait3A_212 = tpu.memref_slice %arg4[%add3A_198, %select_n3A_9, %dma_wait3A_211] : memref<2048x4x1024xf32, #tpu.memory_space<hbm>> -> memref<32x1x1024xf32, #tpu.memory_space<hbm>>
    %dma_wait3A_213 = tpu.memref_squeeze %dma_wait3A_212 : memref<32x1x1024xf32, #tpu.memory_space<hbm>> -> memref<32x1024xf32, #tpu.memory_space<hbm>>
    %dma_wait3A_214 = arith.constant 0 : i32
    %dma_wait3A_215 = tpu.memref_slice %arg4[%add3A_198, %select_n3A_9, %dma_wait3A_214] : memref<2048x4x1024xf32, #tpu.memory_space<hbm>> -> memref<32x1x1024xf32, #tpu.memory_space<hbm>>
    %dma_wait3A_216 = tpu.memref_squeeze %dma_wait3A_215 : memref<32x1x1024xf32, #tpu.memory_space<hbm>> -> memref<32x1024xf32, #tpu.memory_space<hbm>>
    tpu.wait_dma2 semaphore(%arg13 : memref<!tpu.dma_semaphore, #tpu.memory_space<semaphore_mem>>) src(%arg7 : memref<32x1024xf32, #tpu.memory_space<vmem>>) dst(%dma_wait3A_216 : memref<32x1024xf32, #tpu.memory_space<hbm>>)
    %dma_wait3A_217 = arith.constant 0 : i32
    %dma_wait3A_218 = tpu.memref_slice %arg4[%add3A_172, %select_n3A_9, %dma_wait3A_217] : memref<2048x4x1024xf32, #tpu.memory_space<hbm>> -> memref<32x1x1024xf32, #tpu.memory_space<hbm>>
    %dma_wait3A_219 = tpu.memref_squeeze %dma_wait3A_218 : memref<32x1x1024xf32, #tpu.memory_space<hbm>> -> memref<32x1024xf32, #tpu.memory_space<hbm>>
    %dma_wait3A_220 = arith.constant 0 : i32
    %dma_wait3A_221 = tpu.memref_slice %arg4[%add3A_172, %select_n3A_9, %dma_wait3A_220] : memref<2048x4x1024xf32, #tpu.memory_space<hbm>> -> memref<32x1x1024xf32, #tpu.memory_space<hbm>>
    %dma_wait3A_222 = tpu.memref_squeeze %dma_wait3A_221 : memref<32x1x1024xf32, #tpu.memory_space<hbm>> -> memref<32x1024xf32, #tpu.memory_space<hbm>>
    tpu.wait_dma2 semaphore(%arg14 : memref<!tpu.dma_semaphore, #tpu.memory_space<semaphore_mem>>) src(%arg8 : memref<32x1024xf32, #tpu.memory_space<vmem>>) dst(%dma_wait3A_222 : memref<32x1024xf32, #tpu.memory_space<hbm>>)
    return
  }
}

</mosaic_0001>

<sc_bundles>
// kernel: kernel.3.cloned.1.call-start
scs
__scs_entry_jumppad:
0x0: {  	(pc) =	sbr.rel $0x88, $3  }
0x1: {  	(tag) =	ssettag $0x0;
	lr =	simm.s32 $0x1  }
0x2: {  	[smem:$0x3F9E] =	sst lr;
	_ =	strace $0xD0000000  }
0x3: {  	_ = 	snop  }
0x4: {  	_ = 	snop  }
0x5: {  	_ = 	snop  }
0x6: {  	_ = 	snop  }
0x7: {  	_ = 	snop  }
__scs_overlays_trampoline_lowered:
0x8: {  	[smem:$0x3FAD] =	sst s0  }
0x9: {  	[smem:$0x3FAE] =	sst s1  }
0xa: {  	[smem:$0x3FAF] =	sst s2  }
0xb: {  	[smem:$0x3FB0] =	sst s3  }
0xc: {  	[smem:$0x3FB1] =	sst s4  }
0xd: {  	[smem:$0x3FB2] =	sst s5  }
0xe: {  	[smem:$0x3FB3] =	sst s6  }
0xf: {  	[smem:$0x3FB4] =	sst s7  }
0x10: {  	[smem:$0x3FB5] =	sst s8  }
0x11: {  	[smem:$0x3FB6] =	sst s9;
	s0 =	simm.s32 @!p0 $0x0  }
0x12: {  	s1 =	sld [smem:$0x3F9C];
	s0 =	simm.s32 @p0 $0x1  }
0x13: {  	[smem:$0x3FB7] =	sst s0;
	s0 =	simm.s32 @!p1 $0x0  }
0x14: {  	s2 =	sld [smem:$0x3F9B];
	s0 =	simm.s32 @p1 $0x1  }
0x15: {  	[smem:$0x3FB8] =	sst s0;
	s0 =	simm.s32 @!p2 $0x0  }
0x16: {  	s3 =	sld [smem:$0x3FDB];
	s0 =	simm.s32 @p2 $0x1  }
0x17: {  	s4 =	simm.s32 $0x1BF5;
	[smem:$0x3FBA] =	sst s0  }
0x18: {  	s0 =	sld [smem:$0x3F9D];
	_ =	swait.ge [sflag:s4], $0x0  }
0x19: {  	s7 =	sld [smem:$0x3F9E]  }
0x1a: {  	s8 =	sadd.s32 $0xFFFFE003, lr  }
0x1b: {  	s9 =	sadd.s32 $0xFFFFFEF7, lr;
	s5 =	simm.s32 $0xFFFFFFFF;
	p2 =	slt.u32 s8, $0xFFFFF086  }
0x1c: {  	p1 =	slt.u32 s9, $0xF7A;
	s5 =	simm.s32 @!p2 $0x0  }
0x1d: {  	s5 =	simm.s32 @p1 $0x1;
	p0 =	seq.s32 s7, s2  }
0x1e: {  	s7 =	smul.u32 @!p0 $0xF7A, s2;
	p2 =	seq.s32 @!p0 s5, $0x0  }
0x1f: {  	s9 =	smul.u32 $0xF7A, s1;
	s8 =	simm.s32 @!p0 $0x1BF5;
	p2 =	por !p2, p0  }
0x20: {  	[sflag:s8] =	ssyncset.s32 @!p0 $0xFFFFF086;
	s6 =	sadd.s32 @!p0 s3, s7;
	s7 =	simm.s32 @!p0 $0x108  }
0x21: {  	s3 =	sadd.s32 s3, s9;
	s6 =	sadd.s32 @!p0 $0x88, s6;
	s7 =	simm.s32 @p2 $0x1082  }
0x22: {  	[simem:s7], [sflag:s8] =	dma.local @!p0 [hbm:s6], $0xF7A  }
0x23: {  	s9 =	sor.u32 $0xD0000000, s2;
	s6 =	simm.s32 $0x108;
	_ =	swait.ge @!p0 [sflag:s8], $0x0  }
0x24: {  	s3 =	sadd.s32 $0x88, s3;
	s6 =	simm.s32 @!p1 $0x1082;
	[sflag:s4] =	ssyncset.s32 $0xFFFFF086  }
0x25: {  	[simem:s6], [sflag:s4] =	dma.local [hbm:s3], $0xF7A  }
0x26: {  	[smem:$0x3F9E] =	sst s1;
	(tag) =	ssettag s2;
	_ =	strace s9  }
0x27: {  	s1 =	sld [smem:$0x3FAE]  }
0x28: {  	s2 =	sld [smem:$0x3FAF]  }
0x29: {  	s4 =	sld [smem:$0x3FB1]  }
0x2a: {  	p0 =	seq.s32 s5, $0x0;
	s5 =	sld [smem:$0x3FB2]  }
0x2b: {  	s6 =	sld [smem:$0x3FB3]  }
0x2c: {  	s7 =	sld [smem:$0x3FB4]  }
0x2d: {  	s3 =	simm.s32 $0x108;
	s8 =	sld [smem:$0x3FB5]  }
0x2e: {  	s3 =	simm.s32 @!p0 $0x1082;
	s9 =	sld [smem:$0x3FB6]  }
0x2f: {  	lr =	sadd.s32 s0, s3;
	s0 =	sld [smem:$0x3FAD]  }
0x30: {  	s3 =	sld [smem:$0x3FB0]  }
0x31: {  	[smem:$0x3FB9] =	sst s10  }
0x32: {  	s10 =	sld [smem:$0x3FB7];
	_ =	sdelay $0x3  }
0x33: {  	p0 =	seq.s32 s10, $0x1;
	s10 =	sld [smem:$0x3FB9];
	_ =	sdelay $0x3  }
0x34: {  	[smem:$0x3FB9] =	sst s10  }
0x35: {  	s10 =	sld [smem:$0x3FB8];
	_ =	sdelay $0x3  }
0x36: {  	p1 =	seq.s32 s10, $0x1;
	s10 =	sld [smem:$0x3FB9];
	_ =	sdelay $0x3  }
0x37: {  	[smem:$0x3FB9] =	sst s10  }
0x38: {  	s10 =	sld [smem:$0x3FBA]  }
0x39: {  	_ = 	snop;
	(pc) =	sbr.ind lr, $3  }
0x3a: {  	_ = 	snop  }
0x3b: {  	_ = 	snop  }
0x3c: {  	p2 =	seq.s32 s10, $0x1;
	s10 =	sld [smem:$0x3FB9]  }
0x3d: {  	_ =	shalt  }
0x3e: {  	_ =	shalt  }
0x3f: {  	_ =	shalt  }
0x40: {  	_ =	shalt  }
0x41: {  	_ =	shalt  }
0x42: {  	_ =	shalt  }
0x43: {  	_ =	shalt  }
0x44: {  	_ =	shalt  }
0x45: {  	_ =	shalt  }
0x46: {  	_ =	shalt  }
0x47: {  	_ =	shalt  }
0x48: {  	_ =	shalt  }
0x49: {  	_ =	shalt  }
0x4a: {  	_ =	shalt  }
0x4b: {  	_ =	shalt  }
0x4c: {  	_ =	shalt  }
0x4d: {  	_ =	shalt  }
0x4e: {  	_ =	shalt  }
0x4f: {  	_ =	shalt  }
0x50: {  	_ =	shalt  }
0x51: {  	_ =	shalt  }
0x52: {  	_ =	shalt  }
0x53: {  	_ =	shalt  }
0x54: {  	_ =	shalt  }
0x55: {  	_ =	shalt  }
0x56: {  	_ =	shalt  }
0x57: {  	_ =	shalt  }
0x58: {  	_ =	shalt  }
0x59: {  	_ =	shalt  }
0x5a: {  	_ =	shalt  }
0x5b: {  	_ =	shalt  }
0x5c: {  	_ =	shalt  }
0x5d: {  	_ =	shalt  }
0x5e: {  	_ =	shalt  }
0x5f: {  	_ =	shalt  }
0x60: {  	_ =	shalt  }
0x61: {  	_ =	shalt  }
0x62: {  	_ =	shalt  }
0x63: {  	_ =	shalt  }
0x64: {  	_ =	shalt  }
0x65: {  	_ =	shalt  }
0x66: {  	_ =	shalt  }
0x67: {  	_ =	shalt  }
0x68: {  	_ =	shalt  }
0x69: {  	_ =	shalt  }
0x6a: {  	_ =	shalt  }
0x6b: {  	_ =	shalt  }
0x6c: {  	_ =	shalt  }
0x6d: {  	_ =	shalt  }
0x6e: {  	_ =	shalt  }
0x6f: {  	_ =	shalt  }
0x70: {  	_ =	shalt  }
0x71: {  	_ =	shalt  }
0x72: {  	_ =	shalt  }
0x73: {  	_ =	shalt  }
0x74: {  	_ =	shalt  }
0x75: {  	_ =	shalt  }
0x76: {  	_ =	shalt  }
0x77: {  	_ =	shalt  }
0x78: {  	_ =	shalt  }
0x79: {  	_ =	shalt  }
0x7a: {  	_ =	shalt  }
0x7b: {  	_ =	shalt  }
0x7c: {  	_ =	shalt  }
0x7d: {  	_ =	shalt  }
0x7e: {  	_ =	shalt  }
0x7f: {  	_ =	shalt  }
0x80: {  	_ =	shalt  }
0x81: {  	_ =	shalt  }
0x82: {  	_ =	shalt  }
0x83: {  	_ =	shalt  }
0x84: {  	_ =	shalt  }
0x85: {  	_ =	shalt  }
0x86: {  	_ =	shalt  }
0x87: {  	_ =	shalt  }
.Lfunc_end0:
.L_simem_size_0:
called_computation_lowered:
.L_overlay_start_0:
0x88: {  	s2 =	sld [smem:$0x3FD9]  }
0x89: {  	s3 =	sld [smem:$0x3FFE];
	_ =	sdelay $0x1  }
0x8a: {  	s1 =	srdreg.scid  }
0x8b: {  	s0 =	sand.u32 $0x1, s1  }
0x8c: {  	s15 =	sshll.u32 s0, $0xA;
	s2 =	sadd.s32 s3, s2  }
0x8d: {  	s2 =	sadd.s32 s2, s15  }
0x8e: {  	[smem:$0x3FC5] =	sst s2  }
0x8f: {  	_ = 	snop  }
0x90: {  	s2 =	sld [smem:$0x3FD0];
	_ =	sdelay $0x1  }
0x91: {  	s16 =	sld [smem:$0x3FC9]  }
0x92: {  	s5 =	simm.s32 $0xA;
	s6 =	simm.s32 $0x10;
	s4 =	sld [smem:$0x3FC7]  }
0x93: {  	[smem:s6], [sflag:s5] =	dma.local [hbm:s2], $0x1  }
0x94: {  	_ =	swait.eq [sflag:s5], $0x1  }
0x95: {  	[sflag:s5] =	ssyncset.done $0x0  }
0x96: {  	[sflag:s5] =	ssyncadd.s32 $0xFFFFFFFF  }
0x97: {  	s17 =	sld [smem:$0x10];
	(tm) =	ssettm $0x1  }
0x98: {  	s18 =	sld [smem:$0x3FFB];
	_ =	sdelay $0x3  }
0x99: {  	_ =	strace s18  }
0x9a: {  	s5 =	sld [smem:$0x3FFC];
	_ =	sdelay $0x3  }
0x9b: {  	_ =	strace s5  }
0x9c: {  	s5 =	sld [smem:$0x3FFD];
	_ =	sdelay $0x3  }
0x9d: {  	_ =	strace s5  }
0x9e: {  	_ =	strace $0x8FFFFFFF  }
0x9f: {  	s19 =	sld [smem:$0x3FDB];
	_ =	sdelay $0x1  }
0xa0: {  	s20 =	simm.s32 $_scs_section_size  }
0xa1: {  	s7 =	simm.s32 $_size__tile_overlayer_lowered;
	s8 =	simm.s32 $_tile_overlayer_lowered  }
0xa2: {  	s23 =	simm.s32 $0x1BFF;
	s22 =	sshll.u32 s8, $0x1;
	s5 =	sadd.s32 s20, s19  }
0xa3: {  	s9 =	simm.s32 $0x0;
	s21 =	sshll.u32 s7, $0x1;
	s7 =	sadd.s32 s22, s5  }
0xa4: {  	[timem:s9], [sflag:s23] =	dma.local [hbm:s7], s21  }
0xa5: {  	_ =	swait.ge [sflag:s23], s21  }
0xa6: {  	s6 =	ssub.s32 $0x0, s21;
	[sflag:s23] =	ssyncset.done $0x0  }
0xa7: {  	[sflag:s23] =	ssyncadd.s32 s6;
	_ =	sdelay $0x1  }
0xa8: {  	s24 =	simm.s32 $0x1B8B  }
0xa9: {  	_ =	swait.ge [sflag:s24], $0x1  }
0xaa: {  	[sflag:s24] =	ssyncset.done $0x0  }
0xab: {  	s25 =	simm.s32 $0x1B8E;
	[sflag:s24] =	ssyncadd.s32 $0xFFFFFFFF  }
0xac: {  	s26 =	simm.s32 $execute0_lowered;
	[smem:$0x3FD2] =	sst s25  }
0xad: {  	s6 =	sshll.u32 s26, $0x1;
	_ =	strace $0x80000046;
	[dreg:$0x1] =	wrdreg $0xFFFFFFFF  }
0xae: {  	s28 =	simm.s32 $_size_execute0_lowered;
	s5 =	sadd.s32 s5, s6;
	[dreg:$0x0] =	wrdreg $0x0  }
0xaf: {  	s6 =	sshll.u32 s28, $0x1;
	[dreg:$0x2] =	wrdreg s5  }
0xb0: {  	[dreg:$0x3] =	wrdreg s6  }
0xb1: {  	[dreg:$0x4] =	wrdreg $0xC0  }
0xb2: {  	_ =	task [dreg:s9], $0x5FFFF  }
0xb3: {  	[dreg:$0x1] =	wrdreg $0xFFFFFFFF  }
0xb4: {  	[dreg:$0x0] =	wrdreg $0x60  }
0xb5: {  	[dreg:$0x2] =	wrdreg s16  }
0xb6: {  	[dreg:$0x3] =	wrdreg s4  }
0xb7: {  	[dreg:$0x4] =	wrdreg s17  }
0xb8: {  	[dreg:$0x5] =	wrdreg $0x9  }
0xb9: {  	_ =	task.clear_ibuf [dreg:s9], $0x6FFFF;
	_ =	strace $0x90000046  }
0xba: {  	s29 =	simm.s32 $0x9;
	_ =	strace $0x80000048  }
0xbb: {  	_ =	swait.ge [sflag:s29], $0x1  }
0xbc: {  	[sflag:s29] =	ssyncadd.s32 $0xFFFFFFFF  }
0xbd: {  	_ =	strace $0x90000048  }
0xbe: {  	_ =	sfence  }
0xbf: {  	s30 =	sld [smem:$0x0];
	_ =	sdelay $0x2  }
0xc0: {  	s31 =	sshll.u32 s1, $0xD;
	s1 =	sshrl.u32 s1, $0x2  }
0xc1: {  	s3 =	sand.u32 $0x4000, s31;
	s1 =	sadd.s32 s1, s30  }
0xc2: {  	s0 =	sor.u32 s3, s0;
	s1 =	sshll.u32 s1, $0x11  }
0xc3: {  	s0 =	sor.u32 s1, s0  }
0xc4: {  	s0 =	sadd.s32 $0x8F2B, s0  }
0xc5: {  	[sflag:s0] =	ssyncadd.remote.s32 $0x1  }
0xc6: {  	_ =	sfence.sel $0xFFFF  }
0xc7: {  	[dreg:$0x0] =	wrdreg $0xFFFFFFFF;
	(pc) =	sbr.abs _section_cstart, $3  }
0xc8: {  	[dreg:$0x1] =	wrdreg $0xFFFFFFFF  }
0xc9: {  	_ =	task.clear_ibuf [dreg:s9], $0x2FFFF;
	_ =	strace $0x9FFFFFFF  }
0xca: {  	(tm) =	ssettm $0x7FFFFFFF  }
0xcb: {  	_ =	shalt  }
tec
execute0_lowered:
.L_overlay_start_1:
0x0: {  	(tag) =	ssettag $0x1  }
0x1: {  	s0 =	rddreg [dreg:$0x0]  }
0x2: {  	s2 =	rddreg [dreg:$0x1]  }
0x3: {  	s1 =	rddreg [dreg:$0x2];
	s3 =	simm.s32 $0x0  }
0x4: {  	s7 =	stileid.u32;
	s4 =	srdreg.scid;
	s17 =	simm.s32 $0x80  }
0x5: {  	s18 =	simm.s32 $0xF100;
	s19 =	simm.s32 $0x1000;
	s20 =	simm.s32 $0x4  }
0x6: {  	s21 =	simm.s32 $0x2;
	s22 =	simm.s32 $0x5;
	s23 =	simm.s32 $0x3  }
0x7: {  	s24 =	simm.s32 $0x6;
	s25 =	simm.s32 $0x0;
	[smem:$0x7FF] =	sst s3  }
0x8: {  	s5 =	sshll.u32 s7, $0x1;
	s4 =	sand.u32 $0x1, s4;
	s30 =	sshrl.u32 s7, $0x1  }
0x9: {  	_ =	strace $0x80000047;
	s5 =	sand.u32 $0x2, s5;
	s6 =	ssub.s32 $0x2, s4  }
0xa: {  	s7 =	sshll.u32 s30, $0x14;
	s4 =	sor.u32 s4, s5;
	s8 =	sshrl.u32 s6, $0x1  }
0xb: {  	s5 =	sshll.u32 s30, $0xA;
	s4 =	sshll.u32 s4, $0x7;
	s16 =	ssub.s32 s6, s8  }
0xc: {  	s8 =	sadd.s32 $0x300, s2;
	s5 =	sor.u32 s5, s4;
	s4 =	sor.u32 s7, s4  }
0xd: {  	s7 =	sadd.s32 $0x200, s2;
	s31 =	smax.u32 s16, $0x1;
	s16 =	simm.s32 $0x1  }
0xe: {  	s5 =	sshrl.u32 s5, $0x3;
	s4 =	sshrl.u32 s4, $0x3;
	[dreg:$0x5] =	wrdreg s31  }
0xf: {  	s0 =	sadd.s32 s0, s5;
	s5 =	sadd.s32 $0x100, s2;
	s6 =	sadd.s32 s1, s4  }
0x10: {  	v2 =	vlaneseq.u32;
	s4 =	simm.s32 $0xF900;
	[dreg:$0x4] =	wrdreg s0;
	s9 =	sadd.s32 $0x4000, s6  }
0x11: {  	vm0 =	vmmov $0xffff;
	v1 =	vshrl.u32 v2, $0x3;
	s10 =	sadd.s32 $0x8000, s6;
	s11 =	sadd.s32 $0xC000, s6;
	s12 =	sadd.s32 $0x10000, s6  }
0x12: {  	v0 =	vand.u32 $0x7, v2;
	v2 =	vor.u32 $0x8, v2;
	v1 =	vmul.u32 $0x8, v1;
	s13 =	sadd.s32 $0x14000, s6;
	s14 =	sadd.s32 $0x18000, s6;
	s15 =	sadd.s32 $0x1C000, s6  }
.LBB2_1:
0x13: {  	s0 =	rddreg [dreg:$0x4];
	s1 =	simm.s32 $0x200;
	s26 =	simm.s32 $0x7  }
0x14: {  	[tilespmem:s3], [sflag:$0x7] =	stream.strided.gather [hbm4b:s0+s17], $0x100, s1, s17, $0x38;
	[tilespmem:$0x18100] =	vst v63  }
0x15: {  	_ =	swait.ge [sflag:s26], $0x100  }
0x16: {  	[sflag:s26] =	ssyncset.done $0x0  }
0x17: {  	[sflag:s26] =	ssyncadd.s32 $0xFFFFFF00  }
0x18: {  	v3 =	vld [tilespmem:$0x0];
	_ =	sdelay $0x4  }
0x19: {  	v4 =	vshll.u32 v3, $0x3  }
0x1a: {  	v3 =	vand.u32 $0x7, v3;
	v4 =	vand.u32 $0xFFFFFFC0, v4  }
0x1b: {  	v3 =	vor.u32 v3, v4  }
0x1c: {  	v4 =	vperm.xlane v3, v0;
	_ =	sdelay $0x1  }
0x1d: {  	v4 =	vadd.s32 v1, v4;
	_ =	sdelay $0x3  }
0x1e: {  	s1 =	simm.s32 $0x100  }
0x1f: {  	[tilespmem:s1], [sflag:$0x1] =	stream.indirect_vreg.gather [hbm4b:s2+s3], $0x80, v4, vm0, $0xb8;
	[tilespmem:$0x18100] =	vst v63  }
0x20: {  	s26 =	simm.s32 $0x900;
	v3 =	vperm.xlane v3, v2  }
0x21: {  	[tilespmem:s26], [sflag:$0x1] =	stream.indirect_vreg.gather [hbm4b:s5+s3], $0x80, v4, vm0, $0xb8;
	[tilespmem:$0x18100] =	vst v63  }
0x22: {  	v3 =	vadd.s32 v1, v3;
	s1 =	simm.s32 $0x1100  }
0x23: {  	[tilespmem:s1], [sflag:$0x1] =	stream.indirect_vreg.gather [hbm4b:s7+s3], $0x80, v4, vm0, $0xb8;
	[tilespmem:$0x18100] =	vst v63  }
0x24: {  	s26 =	simm.s32 $0x1900  }
0x25: {  	[tilespmem:s26], [sflag:$0x1] =	stream.indirect_vreg.gather [hbm4b:s8+s3], $0x80, v4, vm0, $0xb8;
	[tilespmem:$0x18100] =	vst v63  }
0x26: {  	s1 =	simm.s32 $0x2100  }
0x27: {  	[tilespmem:s1], [sflag:$0x1] =	stream.indirect_vreg.gather [hbm4b:s2+s3], $0x80, v3, vm0, $0xb8;
	[tilespmem:$0x18100] =	vst v63  }
0x28: {  	s26 =	simm.s32 $0x2900  }
0x29: {  	[tilespmem:s26], [sflag:$0x1] =	stream.indirect_vreg.gather [hbm4b:s5+s3], $0x80, v3, vm0, $0xb8;
	[tilespmem:$0x18100] =	vst v63  }
0x2a: {  	s1 =	simm.s32 $0x3100  }
0x2b: {  	[tilespmem:s1], [sflag:$0x1] =	stream.indirect_vreg.gather [hbm4b:s7+s3], $0x80, v3, vm0, $0xb8;
	[tilespmem:$0x18100] =	vst v63  }
0x2c: {  	s26 =	simm.s32 $0x3900  }
0x2d: {  	[tilespmem:s26], [sflag:$0x1] =	stream.indirect_vreg.gather [hbm4b:s8+s3], $0x80, v3, vm0, $0xb8;
	[tilespmem:$0x18100] =	vst v63  }
0x2e: {  	v3 =	vld [tilespmem:$0x10];
	_ =	sdelay $0x4  }
0x2f: {  	v59 =	vshll.u32 v3, $0x3  }
0x30: {  	v3 =	vand.u32 $0x7, v3;
	v4 =	vand.u32 $0xFFFFFFC0, v59  }
0x31: {  	v3 =	vor.u32 v3, v4  }
0x32: {  	v4 =	vperm.xlane v3, v0;
	_ =	sdelay $0x1  }
0x33: {  	v4 =	vadd.s32 v1, v4;
	_ =	sdelay $0x3  }
0x34: {  	s1 =	simm.s32 $0x4100  }
0x35: {  	[tilespmem:s1], [sflag:$0x1] =	stream.indirect_vreg.gather [hbm4b:s2+s3], $0x80, v4, vm0, $0xb8;
	[tilespmem:$0x18100] =	vst v63  }
0x36: {  	s26 =	simm.s32 $0x4900;
	v3 =	vperm.xlane v3, v2  }
0x37: {  	[tilespmem:s26], [sflag:$0x1] =	stream.indirect_vreg.gather [hbm4b:s5+s3], $0x80, v4, vm0, $0xb8;
	[tilespmem:$0x18100] =	vst v63  }
0x38: {  	v3 =	vadd.s32 v1, v3;
	s1 =	simm.s32 $0x5100  }
0x39: {  	[tilespmem:s1], [sflag:$0x1] =	stream.indirect_vreg.gather [hbm4b:s7+s3], $0x80, v4, vm0, $0xb8;
	[tilespmem:$0x18100] =	vst v63  }
0x3a: {  	s26 =	simm.s32 $0x5900  }
0x3b: {  	[tilespmem:s26], [sflag:$0x1] =	stream.indirect_vreg.gather [hbm4b:s8+s3], $0x80, v4, vm0, $0xb8;
	[tilespmem:$0x18100] =	vst v63  }
0x3c: {  	s1 =	simm.s32 $0x6100  }
0x3d: {  	[tilespmem:s1], [sflag:$0x1] =	stream.indirect_vreg.gather [hbm4b:s2+s3], $0x80, v3, vm0, $0xb8;
	[tilespmem:$0x18100] =	vst v63  }
0x3e: {  	s26 =	simm.s32 $0x6900  }
0x3f: {  	[tilespmem:s26], [sflag:$0x1] =	stream.indirect_vreg.gather [hbm4b:s5+s3], $0x80, v3, vm0, $0xb8;
	[tilespmem:$0x18100] =	vst v63  }
0x40: {  	s1 =	simm.s32 $0x7100  }
0x41: {  	[tilespmem:s1], [sflag:$0x1] =	stream.indirect_vreg.gather [hbm4b:s7+s3], $0x80, v3, vm0, $0xb8;
	[tilespmem:$0x18100] =	vst v63  }
0x42: {  	s26 =	simm.s32 $0x7900  }
0x43: {  	[tilespmem:s26], [sflag:$0x1] =	stream.indirect_vreg.gather [hbm4b:s8+s3], $0x80, v3, vm0, $0xb8;
	[tilespmem:$0x18100] =	vst v63  }
0x44: {  	v3 =	vld [tilespmem:$0x20];
	_ =	sdelay $0x4  }
0x45: {  	v60 =	vshll.u32 v3, $0x3  }
0x46: {  	v3 =	vand.u32 $0x7, v3;
	v4 =	vand.u32 $0xFFFFFFC0, v60  }
0x47: {  	v3 =	vor.u32 v3, v4  }
0x48: {  	v4 =	vperm.xlane v3, v0;
	_ =	sdelay $0x1  }
0x49: {  	v4 =	vadd.s32 v1, v4;
	_ =	sdelay $0x3  }
0x4a: {  	s1 =	simm.s32 $0x8100  }
0x4b: {  	[tilespmem:s1], [sflag:$0x2] =	stream.indirect_vreg.gather [hbm4b:s2+s3], $0x80, v4, vm0, $0xb8;
	[tilespmem:$0x18100] =	vst v63  }
0x4c: {  	s26 =	simm.s32 $0x8900;
	v3 =	vperm.xlane v3, v2  }
0x4d: {  	[tilespmem:s26], [sflag:$0x2] =	stream.indirect_vreg.gather [hbm4b:s5+s3], $0x80, v4, vm0, $0xb8;
	[tilespmem:$0x18100] =	vst v63  }
0x4e: {  	v3 =	vadd.s32 v1, v3;
	s1 =	simm.s32 $0x9100  }
0x4f: {  	[tilespmem:s1], [sflag:$0x2] =	stream.indirect_vreg.gather [hbm4b:s7+s3], $0x80, v4, vm0, $0xb8;
	[tilespmem:$0x18100] =	vst v63  }
0x50: {  	s26 =	simm.s32 $0x9900  }
0x51: {  	[tilespmem:s26], [sflag:$0x2] =	stream.indirect_vreg.gather [hbm4b:s8+s3], $0x80, v4, vm0, $0xb8;
	[tilespmem:$0x18100] =	vst v63  }
0x52: {  	s1 =	simm.s32 $0xA100  }
0x53: {  	[tilespmem:s1], [sflag:$0x2] =	stream.indirect_vreg.gather [hbm4b:s2+s3], $0x80, v3, vm0, $0xb8;
	[tilespmem:$0x18100] =	vst v63  }
0x54: {  	s26 =	simm.s32 $0xA900  }
0x55: {  	[tilespmem:s26], [sflag:$0x2] =	stream.indirect_vreg.gather [hbm4b:s5+s3], $0x80, v3, vm0, $0xb8;
	[tilespmem:$0x18100] =	vst v63  }
0x56: {  	s1 =	simm.s32 $0xB100  }
0x57: {  	[tilespmem:s1], [sflag:$0x2] =	stream.indirect_vreg.gather [hbm4b:s7+s3], $0x80, v3, vm0, $0xb8;
	[tilespmem:$0x18100] =	vst v63  }
0x58: {  	s26 =	simm.s32 $0xB900  }
0x59: {  	[tilespmem:s26], [sflag:$0x2] =	stream.indirect_vreg.gather [hbm4b:s8+s3], $0x80, v3, vm0, $0xb8;
	[tilespmem:$0x18100] =	vst v63  }
0x5a: {  	v3 =	vld [tilespmem:$0x30];
	_ =	sdelay $0x4  }
0x5b: {  	v61 =	vshll.u32 v3, $0x3  }
0x5c: {  	v3 =	vand.u32 $0x7, v3;
	v4 =	vand.u32 $0xFFFFFFC0, v61  }
0x5d: {  	v3 =	vor.u32 v3, v4  }
0x5e: {  	v4 =	vperm.xlane v3, v0;
	_ =	sdelay $0x1  }
0x5f: {  	v4 =	vadd.s32 v1, v4;
	_ =	sdelay $0x3  }
0x60: {  	s1 =	simm.s32 $0xC100  }
0x61: {  	[tilespmem:s1], [sflag:$0x2] =	stream.indirect_vreg.gather [hbm4b:s2+s3], $0x80, v4, vm0, $0xb8;
	[tilespmem:$0x18100] =	vst v63  }
0x62: {  	s26 =	simm.s32 $0xC900;
	v3 =	vperm.xlane v3, v2  }
0x63: {  	[tilespmem:s26], [sflag:$0x2] =	stream.indirect_vreg.gather [hbm4b:s5+s3], $0x80, v4, vm0, $0xb8;
	[tilespmem:$0x18100] =	vst v63  }
0x64: {  	v3 =	vadd.s32 v1, v3;
	s1 =	simm.s32 $0xD100  }
0x65: {  	[tilespmem:s1], [sflag:$0x2] =	stream.indirect_vreg.gather [hbm4b:s7+s3], $0x80, v4, vm0, $0xb8;
	[tilespmem:$0x18100] =	vst v63  }
0x66: {  	s26 =	simm.s32 $0xD900  }
0x67: {  	[tilespmem:s26], [sflag:$0x2] =	stream.indirect_vreg.gather [hbm4b:s8+s3], $0x80, v4, vm0, $0xb8;
	[tilespmem:$0x18100] =	vst v63  }
0x68: {  	s1 =	simm.s32 $0xE100  }
0x69: {  	[tilespmem:s1], [sflag:$0x2] =	stream.indirect_vreg.gather [hbm4b:s2+s3], $0x80, v3, vm0, $0xb8;
	[tilespmem:$0x18100] =	vst v63  }
0x6a: {  	s26 =	simm.s32 $0xE900  }
0x6b: {  	[tilespmem:s26], [sflag:$0x2] =	stream.indirect_vreg.gather [hbm4b:s5+s3], $0x80, v3, vm0, $0xb8;
	[tilespmem:$0x18100] =	vst v63  }
0x6c: {  	_ = 	snop  }
0x6d: {  	[tilespmem:s18], [sflag:$0x2] =	stream.indirect_vreg.gather [hbm4b:s7+s3], $0x80, v3, vm0, $0xb8;
	[tilespmem:$0x18100] =	vst v63  }
0x6e: {  	_ = 	snop  }
0x6f: {  	[tilespmem:s4], [sflag:$0x2] =	stream.indirect_vreg.gather [hbm4b:s8+s3], $0x80, v3, vm0, $0xb8;
	[tilespmem:$0x18100] =	vst v63  }
0x70: {  	v3 =	vld [tilespmem:$0x40];
	_ =	sdelay $0x4  }
0x71: {  	v62 =	vshll.u32 v3, $0x3  }
0x72: {  	v3 =	vand.u32 $0x7, v3;
	v4 =	vand.u32 $0xFFFFFFC0, v62  }
0x73: {  	v3 =	vor.u32 v3, v4  }
0x74: {  	v4 =	vperm.xlane v3, v0;
	_ =	sdelay $0x1  }
0x75: {  	v4 =	vadd.s32 v1, v4;
	_ =	sdelay $0x3  }
0x76: {  	s1 =	simm.s32 $0x10100  }
0x77: {  	[tilespmem:s1], [sflag:$0x3] =	stream.indirect_vreg.gather [hbm4b:s2+s3], $0x80, v4, vm0, $0xb8;
	[tilespmem:$0x18100] =	vst v63  }
0x78: {  	s26 =	simm.s32 $0x10900;
	v3 =	vperm.xlane v3, v2  }
0x79: {  	[tilespmem:s26], [sflag:$0x3] =	stream.indirect_vreg.gather [hbm4b:s5+s3], $0x80, v4, vm0, $0xb8;
	[tilespmem:$0x18100] =	vst v63  }
0x7a: {  	v3 =	vadd.s32 v1, v3;
	s1 =	simm.s32 $0x11100  }
0x7b: {  	[tilespmem:s1], [sflag:$0x3] =	stream.indirect_vreg.gather [hbm4b:s7+s3], $0x80, v4, vm0, $0xb8;
	[tilespmem:$0x18100] =	vst v63  }
0x7c: {  	s26 =	simm.s32 $0x11900  }
0x7d: {  	[tilespmem:s26], [sflag:$0x3] =	stream.indirect_vreg.gather [hbm4b:s8+s3], $0x80, v4, vm0, $0xb8;
	[tilespmem:$0x18100] =	vst v63  }
0x7e: {  	s1 =	simm.s32 $0x12100  }
0x7f: {  	[tilespmem:s1], [sflag:$0x3] =	stream.indirect_vreg.gather [hbm4b:s2+s3], $0x80, v3, vm0, $0xb8;
	[tilespmem:$0x18100] =	vst v63  }
0x80: {  	s26 =	simm.s32 $0x12900  }
0x81: {  	[tilespmem:s26], [sflag:$0x3] =	stream.indirect_vreg.gather [hbm4b:s5+s3], $0x80, v3, vm0, $0xb8;
	[tilespmem:$0x18100] =	vst v63  }
0x82: {  	s1 =	simm.s32 $0x13100  }
0x83: {  	[tilespmem:s1], [sflag:$0x3] =	stream.indirect_vreg.gather [hbm4b:s7+s3], $0x80, v3, vm0, $0xb8;
	[tilespmem:$0x18100] =	vst v63  }
0x84: {  	s26 =	simm.s32 $0x13900  }
0x85: {  	[tilespmem:s26], [sflag:$0x3] =	stream.indirect_vreg.gather [hbm4b:s8+s3], $0x80, v3, vm0, $0xb8;
	[tilespmem:$0x18100] =	vst v63  }
0x86: {  	v3 =	vld [tilespmem:$0x50];
	_ =	sdelay $0x4  }
0x87: {  	v63 =	vshll.u32 v3, $0x3  }
0x88: {  	v3 =	vand.u32 $0x7, v3;
	v4 =	vand.u32 $0xFFFFFFC0, v63  }
0x89: {  	v3 =	vor.u32 v3, v4  }
0x8a: {  	v4 =	vperm.xlane v3, v0;
	_ =	sdelay $0x1  }
0x8b: {  	v4 =	vadd.s32 v1, v4;
	_ =	sdelay $0x3  }
0x8c: {  	s1 =	simm.s32 $0x14100  }
0x8d: {  	[tilespmem:s1], [sflag:$0x3] =	stream.indirect_vreg.gather [hbm4b:s2+s3], $0x80, v4, vm0, $0xb8;
	[tilespmem:$0x18100] =	vst v63  }
0x8e: {  	s26 =	simm.s32 $0x14900;
	v3 =	vperm.xlane v3, v2  }
0x8f: {  	[tilespmem:s26], [sflag:$0x3] =	stream.indirect_vreg.gather [hbm4b:s5+s3], $0x80, v4, vm0, $0xb8;
	[tilespmem:$0x18100] =	vst v63  }
0x90: {  	v3 =	vadd.s32 v1, v3;
	s1 =	simm.s32 $0x15100  }
0x91: {  	[tilespmem:s1], [sflag:$0x3] =	stream.indirect_vreg.gather [hbm4b:s7+s3], $0x80, v4, vm0, $0xb8;
	[tilespmem:$0x18100] =	vst v63  }
0x92: {  	s26 =	simm.s32 $0x15900  }
0x93: {  	[tilespmem:s26], [sflag:$0x3] =	stream.indirect_vreg.gather [hbm4b:s8+s3], $0x80, v4, vm0, $0xb8;
	[tilespmem:$0x18100] =	vst v63  }
0x94: {  	s1 =	simm.s32 $0x16100  }
0x95: {  	[tilespmem:s1], [sflag:$0x3] =	stream.indirect_vreg.gather [hbm4b:s2+s3], $0x80, v3, vm0, $0xb8;
	[tilespmem:$0x18100] =	vst v63  }
0x96: {  	s26 =	simm.s32 $0x16900  }
0x97: {  	[tilespmem:s26], [sflag:$0x3] =	stream.indirect_vreg.gather [hbm4b:s5+s3], $0x80, v3, vm0, $0xb8;
	[tilespmem:$0x18100] =	vst v63  }
0x98: {  	s1 =	simm.s32 $0x17100  }
0x99: {  	[tilespmem:s1], [sflag:$0x3] =	stream.indirect_vreg.gather [hbm4b:s7+s3], $0x80, v3, vm0, $0xb8;
	[tilespmem:$0x18100] =	vst v63  }
0x9a: {  	s26 =	simm.s32 $0x17900  }
0x9b: {  	[tilespmem:s26], [sflag:$0x3] =	stream.indirect_vreg.gather [hbm4b:s8+s3], $0x80, v3, vm0, $0xb8;
	[tilespmem:$0x18100] =	vst v63  }
0x9c: {  	_ =	swait.ge [sflag:s16], $0x8000  }
0x9d: {  	[sflag:s16] =	ssyncset.done $0x0  }
0x9e: {  	s26 =	simm.s32 $0x100;
	[sflag:s16] =	ssyncadd.s32 $0xFFFF8000  }
0x9f: {  	[hbm4b:s6+s17] =	stream.strided.scatter [tilespmem:s26], [sflag:$0x4], $0x400, s19, s17, $0x38;
	[tilespmem:$0x18100] =	vst v63  }
0xa0: {  	s28 =	sadd.s32 $0x40, s6;
	s0 =	simm.s32 $0x500  }
0xa1: {  	[hbm4b:s28+s17] =	stream.strided.scatter [tilespmem:s0], [sflag:$0x4], $0x400, s19, s17, $0x38;
	[tilespmem:$0x18100] =	vst v63  }
0xa2: {  	s1 =	simm.s32 $0x900;
	s28 =	sadd.s32 $0x80, s6  }
0xa3: {  	[hbm4b:s28+s17] =	stream.strided.scatter [tilespmem:s1], [sflag:$0x4], $0x400, s19, s17, $0x38;
	[tilespmem:$0x18100] =	vst v63  }
0xa4: {  	s0 =	simm.s32 $0xD00;
	s28 =	sadd.s32 $0xC0, s6  }
0xa5: {  	[hbm4b:s28+s17] =	stream.strided.scatter [tilespmem:s0], [sflag:$0x4], $0x400, s19, s17, $0x38;
	[tilespmem:$0x18100] =	vst v63  }
0xa6: {  	s1 =	simm.s32 $0x1100;
	s28 =	sadd.s32 $0x100, s6  }
0xa7: {  	[hbm4b:s28+s17] =	stream.strided.scatter [tilespmem:s1], [sflag:$0x4], $0x400, s19, s17, $0x38;
	[tilespmem:$0x18100] =	vst v63  }
0xa8: {  	s29 =	simm.s32 $0x10000;
	s0 =	simm.s32 $0x1500;
	s28 =	sadd.s32 $0x140, s6  }
0xa9: {  	[hbm4b:s28+s17] =	stream.strided.scatter [tilespmem:s0], [sflag:$0x4], $0x400, s19, s17, $0x38;
	[tilespmem:$0x18100] =	vst v63  }
0xaa: {  	s30 =	simm.s32 $0x1D00;
	s1 =	simm.s32 $0x1900;
	s28 =	sadd.s32 $0x180, s6  }
0xab: {  	[hbm4b:s28+s17] =	stream.strided.scatter [tilespmem:s1], [sflag:$0x4], $0x400, s19, s17, $0x38;
	[tilespmem:$0x18100] =	vst v63  }
0xac: {  	s31 =	sadd.s32 $0x1C0, s6;
	s26 =	simm.s32 $0x2000;
	s28 =	sadd.s32 $0x1000, s6  }
.LBB2_2:
0xad: {  	[hbm4b:s31+s17] =	stream.strided.scatter [tilespmem:s30], [sflag:$0x4], $0x400, s19, s17, $0x38;
	[tilespmem:$0x18100] =	vst v63  }
0xae: {  	s30 =	smov.u32 s26;
	s26 =	smov.u32 s29  }
0xaf: {  	s0 =	sadd.s32 $0x8000, s29;
	s26 =	sshra.s32 s26, $0x2;
	s31 =	sadd.s32 $0x100, s30  }
0xb0: {  	[hbm4b:s28+s17] =	stream.strided.scatter [tilespmem:s31], [sflag:$0x4], $0x400, s19, s17, $0x38;
	[tilespmem:$0x18100] =	vst v63  }
0xb1: {  	p0 =	sne.s32 s29, $0x18000;
	s29 =	sadd.s32 $0x500, s30;
	s31 =	sadd.s32 $0x40, s28  }
0xb2: {  	[hbm4b:s31+s17] =	stream.strided.scatter [tilespmem:s29], [sflag:$0x4], $0x400, s19, s17, $0x38;
	[tilespmem:$0x18100] =	vst v63  }
0xb3: {  	s29 =	sadd.s32 $0x900, s30;
	s31 =	sadd.s32 $0x80, s28  }
0xb4: {  	[hbm4b:s31+s17] =	stream.strided.scatter [tilespmem:s29], [sflag:$0x4], $0x400, s19, s17, $0x38;
	[tilespmem:$0x18100] =	vst v63  }
0xb5: {  	s29 =	sadd.s32 $0xD00, s30;
	s31 =	sadd.s32 $0xC0, s28  }
0xb6: {  	[hbm4b:s31+s17] =	stream.strided.scatter [tilespmem:s29], [sflag:$0x4], $0x400, s19, s17, $0x38;
	[tilespmem:$0x18100] =	vst v63  }
0xb7: {  	s29 =	sadd.s32 $0x1100, s30;
	s31 =	sadd.s32 $0x100, s28  }
0xb8: {  	[hbm4b:s31+s17] =	stream.strided.scatter [tilespmem:s29], [sflag:$0x4], $0x400, s19, s17, $0x38;
	[tilespmem:$0x18100] =	vst v63  }
.Ltmp0:
0xb9: {  	s29 =	sadd.s32 $0x1500, s30;
	s31 =	sadd.s32 $0x140, s28;
	(pc) =	sbr.rel @p0 .LBB2_2-.Ltmp0, $4  }
0xba: {  	[hbm4b:s31+s17] =	stream.strided.scatter [tilespmem:s29], [sflag:$0x4], $0x400, s19, s17, $0x38;
	[tilespmem:$0x18100] =	vst v63  }
0xbb: {  	s29 =	sadd.s32 $0x1900, s30;
	s31 =	sadd.s32 $0x180, s28;
	s30 =	sadd.s32 $0x1D00, s30  }
0xbc: {  	[hbm4b:s31+s17] =	stream.strided.scatter [tilespmem:s29], [sflag:$0x4], $0x400, s19, s17, $0x38;
	[tilespmem:$0x18100] =	vst v63  }
0xbd: {  	s31 =	sadd.s32 $0x1C0, s28;
	s28 =	sadd.s32 $0x1000, s28;
	s29 =	smov.u32 s0  }
0xbe: {  	[hbm4b:s31+s17] =	stream.strided.scatter [tilespmem:s30], [sflag:$0x4], $0x400, s19, s17, $0x38;
	[tilespmem:$0x18100] =	vst v63  }
0xbf: {  	s0 =	sadd.s32 $0x100, s26  }
0xc0: {  	[hbm4b:s28+s17] =	stream.strided.scatter [tilespmem:s0], [sflag:$0x4], $0x400, s19, s17, $0x38;
	[tilespmem:$0x18100] =	vst v63  }
0xc1: {  	s1 =	sadd.s32 $0x500, s26;
	s29 =	sadd.s32 $0x40, s28  }
0xc2: {  	[hbm4b:s29+s17] =	stream.strided.scatter [tilespmem:s1], [sflag:$0x4], $0x400, s19, s17, $0x38;
	[tilespmem:$0x18100] =	vst v63  }
0xc3: {  	s1 =	sadd.s32 $0x900, s26;
	s29 =	sadd.s32 $0x80, s28  }
0xc4: {  	[hbm4b:s29+s17] =	stream.strided.scatter [tilespmem:s1], [sflag:$0x4], $0x400, s19, s17, $0x38;
	[tilespmem:$0x18100] =	vst v63  }
0xc5: {  	s1 =	sadd.s32 $0xD00, s26;
	s29 =	sadd.s32 $0xC0, s28  }
0xc6: {  	[hbm4b:s29+s17] =	stream.strided.scatter [tilespmem:s1], [sflag:$0x4], $0x400, s19, s17, $0x38;
	[tilespmem:$0x18100] =	vst v63  }
0xc7: {  	s1 =	sadd.s32 $0x1100, s26;
	s29 =	sadd.s32 $0x100, s28  }
0xc8: {  	[hbm4b:s29+s17] =	stream.strided.scatter [tilespmem:s1], [sflag:$0x4], $0x400, s19, s17, $0x38;
	[tilespmem:$0x18100] =	vst v63  }
0xc9: {  	s1 =	sadd.s32 $0x1500, s26;
	s29 =	sadd.s32 $0x140, s28  }
0xca: {  	[hbm4b:s29+s17] =	stream.strided.scatter [tilespmem:s1], [sflag:$0x4], $0x400, s19, s17, $0x38;
	[tilespmem:$0x18100] =	vst v63  }
0xcb: {  	s1 =	sadd.s32 $0x1900, s26;
	s29 =	sadd.s32 $0x180, s28  }
0xcc: {  	[hbm4b:s29+s17] =	stream.strided.scatter [tilespmem:s1], [sflag:$0x4], $0x400, s19, s17, $0x38;
	[tilespmem:$0x18100] =	vst v63  }
0xcd: {  	s26 =	sadd.s32 $0x1D00, s26;
	s1 =	sadd.s32 $0x1C0, s28  }
0xce: {  	[hbm4b:s1+s17] =	stream.strided.scatter [tilespmem:s26], [sflag:$0x4], $0x400, s19, s17, $0x38;
	[tilespmem:$0x18100] =	vst v63  }
0xcf: {  	_ =	swait.ge [sflag:s20], $0x8000  }
0xd0: {  	[sflag:s20] =	ssyncset.done $0x0  }
0xd1: {  	[sflag:s20] =	ssyncadd.s32 $0xFFFF8000  }
0xd2: {  	v3 =	vld [tilespmem:$0x60];
	_ =	sdelay $0x4  }
0xd3: {  	v4 =	vshll.u32 v3, $0x3  }
0xd4: {  	v3 =	vand.u32 $0x7, v3;
	v4 =	vand.u32 $0xFFFFFFC0, v4  }
0xd5: {  	v3 =	vor.u32 v3, v4  }
0xd6: {  	v4 =	vperm.xlane v3, v0;
	_ =	sdelay $0x1  }
0xd7: {  	v4 =	vadd.s32 v1, v4;
	_ =	sdelay $0x3  }
0xd8: {  	s0 =	simm.s32 $0x0;
	s1 =	simm.s32 $0x100  }
0xd9: {  	[tilespmem:s1], [sflag:$0x1] =	stream.indirect_vreg.gather [hbm4b:s2+s0], $0x80, v4, vm0, $0xb8;
	[tilespmem:$0x18100] =	vst v63  }
0xda: {  	s26 =	simm.s32 $0x900;
	v3 =	vperm.xlane v3, v2  }
0xdb: {  	[tilespmem:s26], [sflag:$0x1] =	stream.indirect_vreg.gather [hbm4b:s5+s0], $0x80, v4, vm0, $0xb8;
	[tilespmem:$0x18100] =	vst v63  }
0xdc: {  	v3 =	vadd.s32 v1, v3;
	s26 =	simm.s32 $0x1100  }
0xdd: {  	[tilespmem:s26], [sflag:$0x1] =	stream.indirect_vreg.gather [hbm4b:s7+s0], $0x80, v4, vm0, $0xb8;
	[tilespmem:$0x18100] =	vst v63  }
0xde: {  	s26 =	simm.s32 $0x1900  }
0xdf: {  	[tilespmem:s26], [sflag:$0x1] =	stream.indirect_vreg.gather [hbm4b:s8+s0], $0x80, v4, vm0, $0xb8;
	[tilespmem:$0x18100] =	vst v63  }
0xe0: {  	s26 =	simm.s32 $0x2100  }
0xe1: {  	[tilespmem:s26], [sflag:$0x1] =	stream.indirect_vreg.gather [hbm4b:s2+s0], $0x80, v3, vm0, $0xb8;
	[tilespmem:$0x18100] =	vst v63  }
0xe2: {  	s26 =	simm.s32 $0x2900  }
0xe3: {  	[tilespmem:s26], [sflag:$0x1] =	stream.indirect_vreg.gather [hbm4b:s5+s0], $0x80, v3, vm0, $0xb8;
	[tilespmem:$0x18100] =	vst v63  }
0xe4: {  	s26 =	simm.s32 $0x3100  }
0xe5: {  	[tilespmem:s26], [sflag:$0x1] =	stream.indirect_vreg.gather [hbm4b:s7+s0], $0x80, v3, vm0, $0xb8;
	[tilespmem:$0x18100] =	vst v63  }
0xe6: {  	s26 =	simm.s32 $0x3900  }
0xe7: {  	[tilespmem:s26], [sflag:$0x1] =	stream.indirect_vreg.gather [hbm4b:s8+s0], $0x80, v3, vm0, $0xb8;
	[tilespmem:$0x18100] =	vst v63  }
0xe8: {  	v3 =	vld [tilespmem:$0x70];
	_ =	sdelay $0x4  }
0xe9: {  	v63 =	vshll.u32 v3, $0x3  }
0xea: {  	v3 =	vand.u32 $0x7, v3;
	v4 =	vand.u32 $0xFFFFFFC0, v63  }
0xeb: {  	v3 =	vor.u32 v3, v4  }
0xec: {  	v4 =	vperm.xlane v3, v0;
	_ =	sdelay $0x1  }
0xed: {  	v4 =	vadd.s32 v1, v4;
	_ =	sdelay $0x3  }
0xee: {  	s26 =	simm.s32 $0x4100  }
0xef: {  	[tilespmem:s26], [sflag:$0x1] =	stream.indirect_vreg.gather [hbm4b:s2+s0], $0x80, v4, vm0, $0xb8;
	[tilespmem:$0x18100] =	vst v63  }
0xf0: {  	v3 =	vperm.xlane v3, v2;
	s26 =	simm.s32 $0x4900  }
0xf1: {  	[tilespmem:s26], [sflag:$0x1] =	stream.indirect_vreg.gather [hbm4b:s5+s0], $0x80, v4, vm0, $0xb8;
	[tilespmem:$0x18100] =	vst v63  }
0xf2: {  	v3 =	vadd.s32 v1, v3;
	s26 =	simm.s32 $0x5100  }
0xf3: {  	[tilespmem:s26], [sflag:$0x1] =	stream.indirect_vreg.gather [hbm4b:s7+s0], $0x80, v4, vm0, $0xb8;
	[tilespmem:$0x18100] =	vst v63  }
0xf4: {  	s26 =	simm.s32 $0x5900  }
0xf5: {  	[tilespmem:s26], [sflag:$0x1] =	stream.indirect_vreg.gather [hbm4b:s8+s0], $0x80, v4, vm0, $0xb8;
	[tilespmem:$0x18100] =	vst v63  }
0xf6: {  	s26 =	simm.s32 $0x6100  }
0xf7: {  	[tilespmem:s26], [sflag:$0x1] =	stream.indirect_vreg.gather [hbm4b:s2+s0], $0x80, v3, vm0, $0xb8;
	[tilespmem:$0x18100] =	vst v63  }
0xf8: {  	s26 =	simm.s32 $0x6900  }
0xf9: {  	[tilespmem:s26], [sflag:$0x1] =	stream.indirect_vreg.gather [hbm4b:s5+s0], $0x80, v3, vm0, $0xb8;
	[tilespmem:$0x18100] =	vst v63  }
0xfa: {  	s26 =	simm.s32 $0x7100  }
0xfb: {  	[tilespmem:s26], [sflag:$0x1] =	stream.indirect_vreg.gather [hbm4b:s7+s0], $0x80, v3, vm0, $0xb8;
	[tilespmem:$0x18100] =	vst v63  }
0xfc: {  	s26 =	simm.s32 $0x7900  }
0xfd: {  	[tilespmem:s26], [sflag:$0x1] =	stream.indirect_vreg.gather [hbm4b:s8+s0], $0x80, v3, vm0, $0xb8;
	[tilespmem:$0x18100] =	vst v63  }
0xfe: {  	_ =	swait.ge [sflag:s21], $0x8000  }
0xff: {  	[sflag:s21] =	ssyncset.done $0x0  }
0x100: {  	s1 =	simm.s32 $0x8100;
	[sflag:s21] =	ssyncadd.s32 $0xFFFF8000  }
0x101: {  	[hbm4b:s9+s17] =	stream.strided.scatter [tilespmem:s1], [sflag:$0x5], $0x400, s19, s17, $0x38;
	[tilespmem:$0x18100] =	vst v63  }
0x102: {  	s26 =	simm.s32 $0x8500;
	s1 =	sadd.s32 $0x40, s9  }
0x103: {  	[hbm4b:s1+s17] =	stream.strided.scatter [tilespmem:s26], [sflag:$0x5], $0x400, s19, s17, $0x38;
	[tilespmem:$0x18100] =	vst v63  }
0x104: {  	s26 =	simm.s32 $0x8900;
	s1 =	sadd.s32 $0x80, s9  }
0x105: {  	[hbm4b:s1+s17] =	stream.strided.scatter [tilespmem:s26], [sflag:$0x5], $0x400, s19, s17, $0x38;
	[tilespmem:$0x18100] =	vst v63  }
0x106: {  	s26 =	simm.s32 $0x8D00;
	s1 =	sadd.s32 $0xC0, s9  }
0x107: {  	[hbm4b:s1+s17] =	stream.strided.scatter [tilespmem:s26], [sflag:$0x5], $0x400, s19, s17, $0x38;
	[tilespmem:$0x18100] =	vst v63  }
0x108: {  	s26 =	simm.s32 $0x9100;
	s1 =	sadd.s32 $0x100, s9  }
0x109: {  	[hbm4b:s1+s17] =	stream.strided.scatter [tilespmem:s26], [sflag:$0x5], $0x400, s19, s17, $0x38;
	[tilespmem:$0x18100] =	vst v63  }
0x10a: {  	s30 =	simm.s32 $0x9D00;
	s26 =	simm.s32 $0x9500;
	s1 =	sadd.s32 $0x140, s9  }
0x10b: {  	[hbm4b:s1+s17] =	stream.strided.scatter [tilespmem:s26], [sflag:$0x5], $0x400, s19, s17, $0x38;
	[tilespmem:$0x18100] =	vst v63  }
0x10c: {  	s31 =	sadd.s32 $0x1C0, s9;
	s26 =	simm.s32 $0x9900;
	s1 =	sadd.s32 $0x180, s9  }
0x10d: {  	[hbm4b:s1+s17] =	stream.strided.scatter [tilespmem:s26], [sflag:$0x5], $0x400, s19, s17, $0x38;
	[tilespmem:$0x18100] =	vst v63  }
0x10e: {  	s29 =	simm.s32 $0x10000;
	s28 =	sadd.s32 $0x1000, s9;
	s26 =	simm.s32 $0x2000  }
.LBB2_4:
0x10f: {  	[hbm4b:s31+s17] =	stream.strided.scatter [tilespmem:s30], [sflag:$0x5], $0x400, s19, s17, $0x38;
	[tilespmem:$0x18100] =	vst v63  }
0x110: {  	s0 =	smov.u32 s26;
	s26 =	smov.u32 s29  }
0x111: {  	s1 =	sadd.s32 $0x8000, s29;
	s26 =	sshra.s32 s26, $0x2;
	s30 =	sadd.s32 $0x8100, s0  }
0x112: {  	[hbm4b:s28+s17] =	stream.strided.scatter [tilespmem:s30], [sflag:$0x5], $0x400, s19, s17, $0x38;
	[tilespmem:$0x18100] =	vst v63  }
0x113: {  	p0 =	sne.s32 s29, $0x18000;
	s29 =	sadd.s32 $0x8500, s0;
	s30 =	sadd.s32 $0x40, s28  }
0x114: {  	[hbm4b:s30+s17] =	stream.strided.scatter [tilespmem:s29], [sflag:$0x5], $0x400, s19, s17, $0x38;
	[tilespmem:$0x18100] =	vst v63  }
0x115: {  	s29 =	sadd.s32 $0x8900, s0;
	s30 =	sadd.s32 $0x80, s28  }
0x116: {  	[hbm4b:s30+s17] =	stream.strided.scatter [tilespmem:s29], [sflag:$0x5], $0x400, s19, s17, $0x38;
	[tilespmem:$0x18100] =	vst v63  }
0x117: {  	s29 =	sadd.s32 $0x8D00, s0;
	s30 =	sadd.s32 $0xC0, s28  }
0x118: {  	[hbm4b:s30+s17] =	stream.strided.scatter [tilespmem:s29], [sflag:$0x5], $0x400, s19, s17, $0x38;
	[tilespmem:$0x18100] =	vst v63  }
0x119: {  	s29 =	sadd.s32 $0x9100, s0;
	s30 =	sadd.s32 $0x100, s28  }
0x11a: {  	[hbm4b:s30+s17] =	stream.strided.scatter [tilespmem:s29], [sflag:$0x5], $0x400, s19, s17, $0x38;
	[tilespmem:$0x18100] =	vst v63  }
.Ltmp1:
0x11b: {  	s29 =	sadd.s32 $0x9500, s0;
	s30 =	sadd.s32 $0x140, s28;
	(pc) =	sbr.rel @p0 .LBB2_4-.Ltmp1, $4  }
0x11c: {  	[hbm4b:s30+s17] =	stream.strided.scatter [tilespmem:s29], [sflag:$0x5], $0x400, s19, s17, $0x38;
	[tilespmem:$0x18100] =	vst v63  }
0x11d: {  	s31 =	sadd.s32 $0x1C0, s28;
	s29 =	sadd.s32 $0x9900, s0;
	s30 =	sadd.s32 $0x180, s28  }
0x11e: {  	[hbm4b:s30+s17] =	stream.strided.scatter [tilespmem:s29], [sflag:$0x5], $0x400, s19, s17, $0x38;
	[tilespmem:$0x18100] =	vst v63  }
0x11f: {  	s28 =	sadd.s32 $0x1000, s28;
	s30 =	sadd.s32 $0x9D00, s0;
	s29 =	smov.u32 s1  }
0x120: {  	[hbm4b:s31+s17] =	stream.strided.scatter [tilespmem:s30], [sflag:$0x5], $0x400, s19, s17, $0x38;
	[tilespmem:$0x18100] =	vst v63  }
0x121: {  	s0 =	sadd.s32 $0x8100, s26  }
0x122: {  	[hbm4b:s28+s17] =	stream.strided.scatter [tilespmem:s0], [sflag:$0x5], $0x400, s19, s17, $0x38;
	[tilespmem:$0x18100] =	vst v63  }
0x123: {  	s1 =	sadd.s32 $0x40, s28;
	s0 =	sadd.s32 $0x8500, s26  }
0x124: {  	[hbm4b:s1+s17] =	stream.strided.scatter [tilespmem:s0], [sflag:$0x5], $0x400, s19, s17, $0x38;
	[tilespmem:$0x18100] =	vst v63  }
0x125: {  	s0 =	sadd.s32 $0x8900, s26;
	s1 =	sadd.s32 $0x80, s28  }
0x126: {  	[hbm4b:s1+s17] =	stream.strided.scatter [tilespmem:s0], [sflag:$0x5], $0x400, s19, s17, $0x38;
	[tilespmem:$0x18100] =	vst v63  }
0x127: {  	s0 =	sadd.s32 $0x8D00, s26;
	s1 =	sadd.s32 $0xC0, s28  }
0x128: {  	[hbm4b:s1+s17] =	stream.strided.scatter [tilespmem:s0], [sflag:$0x5], $0x400, s19, s17, $0x38;
	[tilespmem:$0x18100] =	vst v63  }
0x129: {  	s0 =	sadd.s32 $0x9100, s26;
	s1 =	sadd.s32 $0x100, s28  }
0x12a: {  	[hbm4b:s1+s17] =	stream.strided.scatter [tilespmem:s0], [sflag:$0x5], $0x400, s19, s17, $0x38;
	[tilespmem:$0x18100] =	vst v63  }
0x12b: {  	s0 =	sadd.s32 $0x9500, s26;
	s1 =	sadd.s32 $0x140, s28  }
0x12c: {  	[hbm4b:s1+s17] =	stream.strided.scatter [tilespmem:s0], [sflag:$0x5], $0x400, s19, s17, $0x38;
	[tilespmem:$0x18100] =	vst v63  }
0x12d: {  	s0 =	sadd.s32 $0x9900, s26;
	s1 =	sadd.s32 $0x180, s28  }
0x12e: {  	[hbm4b:s1+s17] =	stream.strided.scatter [tilespmem:s0], [sflag:$0x5], $0x400, s19, s17, $0x38;
	[tilespmem:$0x18100] =	vst v63  }
0x12f: {  	s1 =	sadd.s32 $0x9D00, s26;
	s26 =	sadd.s32 $0x1C0, s28  }
0x130: {  	[hbm4b:s26+s17] =	stream.strided.scatter [tilespmem:s1], [sflag:$0x5], $0x400, s19, s17, $0x38;
	[tilespmem:$0x18100] =	vst v63  }
0x131: {  	_ =	swait.ge [sflag:s22], $0x8000  }
0x132: {  	[sflag:s22] =	ssyncset.done $0x0  }
0x133: {  	[sflag:s22] =	ssyncadd.s32 $0xFFFF8000  }
0x134: {  	v3 =	vld [tilespmem:$0x80];
	_ =	sdelay $0x4  }
0x135: {  	v4 =	vshll.u32 v3, $0x3  }
0x136: {  	v3 =	vand.u32 $0x7, v3;
	v4 =	vand.u32 $0xFFFFFFC0, v4  }
0x137: {  	v3 =	vor.u32 v3, v4  }
0x138: {  	v4 =	vperm.xlane v3, v0;
	_ =	sdelay $0x1  }
0x139: {  	v4 =	vadd.s32 v1, v4;
	_ =	sdelay $0x3  }
0x13a: {  	s0 =	simm.s32 $0x0;
	s26 =	simm.s32 $0x8100  }
0x13b: {  	[tilespmem:s26], [sflag:$0x2] =	stream.indirect_vreg.gather [hbm4b:s2+s0], $0x80, v4, vm0, $0xb8;
	[tilespmem:$0x18100] =	vst v63  }
0x13c: {  	v3 =	vperm.xlane v3, v2;
	s26 =	simm.s32 $0x8900  }
0x13d: {  	[tilespmem:s26], [sflag:$0x2] =	stream.indirect_vreg.gather [hbm4b:s5+s0], $0x80, v4, vm0, $0xb8;
	[tilespmem:$0x18100] =	vst v63  }
0x13e: {  	v3 =	vadd.s32 v1, v3;
	s26 =	simm.s32 $0x9100  }
0x13f: {  	[tilespmem:s26], [sflag:$0x2] =	stream.indirect_vreg.gather [hbm4b:s7+s0], $0x80, v4, vm0, $0xb8;
	[tilespmem:$0x18100] =	vst v63  }
0x140: {  	s26 =	simm.s32 $0x9900  }
0x141: {  	[tilespmem:s26], [sflag:$0x2] =	stream.indirect_vreg.gather [hbm4b:s8+s0], $0x80, v4, vm0, $0xb8;
	[tilespmem:$0x18100] =	vst v63  }
0x142: {  	s26 =	simm.s32 $0xA100  }
0x143: {  	[tilespmem:s26], [sflag:$0x2] =	stream.indirect_vreg.gather [hbm4b:s2+s0], $0x80, v3, vm0, $0xb8;
	[tilespmem:$0x18100] =	vst v63  }
0x144: {  	s26 =	simm.s32 $0xA900  }
0x145: {  	[tilespmem:s26], [sflag:$0x2] =	stream.indirect_vreg.gather [hbm4b:s5+s0], $0x80, v3, vm0, $0xb8;
	[tilespmem:$0x18100] =	vst v63  }
0x146: {  	s26 =	simm.s32 $0xB100  }
0x147: {  	[tilespmem:s26], [sflag:$0x2] =	stream.indirect_vreg.gather [hbm4b:s7+s0], $0x80, v3, vm0, $0xb8;
	[tilespmem:$0x18100] =	vst v63  }
0x148: {  	s26 =	simm.s32 $0xB900  }
0x149: {  	[tilespmem:s26], [sflag:$0x2] =	stream.indirect_vreg.gather [hbm4b:s8+s0], $0x80, v3, vm0, $0xb8;
	[tilespmem:$0x18100] =	vst v63  }
0x14a: {  	v3 =	vld [tilespmem:$0x90];
	_ =	sdelay $0x4  }
0x14b: {  	v63 =	vshll.u32 v3, $0x3  }
0x14c: {  	v3 =	vand.u32 $0x7, v3;
	v4 =	vand.u32 $0xFFFFFFC0, v63  }
0x14d: {  	v3 =	vor.u32 v3, v4  }
0x14e: {  	v4 =	vperm.xlane v3, v0;
	_ =	sdelay $0x1  }
0x14f: {  	v4 =	vadd.s32 v1, v4;
	_ =	sdelay $0x3  }
0x150: {  	s26 =	simm.s32 $0xC100  }
0x151: {  	[tilespmem:s26], [sflag:$0x2] =	stream.indirect_vreg.gather [hbm4b:s2+s0], $0x80, v4, vm0, $0xb8;
	[tilespmem:$0x18100] =	vst v63  }
0x152: {  	v3 =	vperm.xlane v3, v2;
	s26 =	simm.s32 $0xC900  }
0x153: {  	[tilespmem:s26], [sflag:$0x2] =	stream.indirect_vreg.gather [hbm4b:s5+s0], $0x80, v4, vm0, $0xb8;
	[tilespmem:$0x18100] =	vst v63  }
0x154: {  	v3 =	vadd.s32 v1, v3;
	s26 =	simm.s32 $0xD100  }
0x155: {  	[tilespmem:s26], [sflag:$0x2] =	stream.indirect_vreg.gather [hbm4b:s7+s0], $0x80, v4, vm0, $0xb8;
	[tilespmem:$0x18100] =	vst v63  }
0x156: {  	s26 =	simm.s32 $0xD900  }
0x157: {  	[tilespmem:s26], [sflag:$0x2] =	stream.indirect_vreg.gather [hbm4b:s8+s0], $0x80, v4, vm0, $0xb8;
	[tilespmem:$0x18100] =	vst v63  }
0x158: {  	s26 =	simm.s32 $0xE100  }
0x159: {  	[tilespmem:s26], [sflag:$0x2] =	stream.indirect_vreg.gather [hbm4b:s2+s0], $0x80, v3, vm0, $0xb8;
	[tilespmem:$0x18100] =	vst v63  }
0x15a: {  	s26 =	simm.s32 $0xE900  }
0x15b: {  	[tilespmem:s26], [sflag:$0x2] =	stream.indirect_vreg.gather [hbm4b:s5+s0], $0x80, v3, vm0, $0xb8;
	[tilespmem:$0x18100] =	vst v63  }
0x15c: {  	_ = 	snop  }
0x15d: {  	[tilespmem:s18], [sflag:$0x2] =	stream.indirect_vreg.gather [hbm4b:s7+s0], $0x80, v3, vm0, $0xb8;
	[tilespmem:$0x18100] =	vst v63  }
0x15e: {  	_ = 	snop  }
0x15f: {  	[tilespmem:s4], [sflag:$0x2] =	stream.indirect_vreg.gather [hbm4b:s8+s0], $0x80, v3, vm0, $0xb8;
	[tilespmem:$0x18100] =	vst v63  }
0x160: {  	_ =	swait.ge [sflag:s23], $0x8000  }
0x161: {  	[sflag:s23] =	ssyncset.done $0x0  }
0x162: {  	s26 =	simm.s32 $0x10100;
	[sflag:s23] =	ssyncadd.s32 $0xFFFF8000  }
0x163: {  	[hbm4b:s10+s17] =	stream.strided.scatter [tilespmem:s26], [sflag:$0x6], $0x400, s19, s17, $0x38;
	[tilespmem:$0x18100] =	vst v63  }
0x164: {  	s1 =	simm.s32 $0x10500;
	s26 =	sadd.s32 $0x40, s10  }
0x165: {  	[hbm4b:s26+s17] =	stream.strided.scatter [tilespmem:s1], [sflag:$0x6], $0x400, s19, s17, $0x38;
	[tilespmem:$0x18100] =	vst v63  }
0x166: {  	s1 =	simm.s32 $0x10900;
	s26 =	sadd.s32 $0x80, s10  }
0x167: {  	[hbm4b:s26+s17] =	stream.strided.scatter [tilespmem:s1], [sflag:$0x6], $0x400, s19, s17, $0x38;
	[tilespmem:$0x18100] =	vst v63  }
0x168: {  	s1 =	simm.s32 $0x10D00;
	s26 =	sadd.s32 $0xC0, s10  }
0x169: {  	[hbm4b:s26+s17] =	stream.strided.scatter [tilespmem:s1], [sflag:$0x6], $0x400, s19, s17, $0x38;
	[tilespmem:$0x18100] =	vst v63  }
0x16a: {  	s1 =	simm.s32 $0x11100;
	s26 =	sadd.s32 $0x100, s10  }
0x16b: {  	[hbm4b:s26+s17] =	stream.strided.scatter [tilespmem:s1], [sflag:$0x6], $0x400, s19, s17, $0x38;
	[tilespmem:$0x18100] =	vst v63  }
0x16c: {  	s29 =	simm.s32 $0x10000;
	s1 =	simm.s32 $0x11500;
	s26 =	sadd.s32 $0x140, s10  }
0x16d: {  	[hbm4b:s26+s17] =	stream.strided.scatter [tilespmem:s1], [sflag:$0x6], $0x400, s19, s17, $0x38;
	[tilespmem:$0x18100] =	vst v63  }
0x16e: {  	s30 =	simm.s32 $0x11D00;
	s1 =	simm.s32 $0x11900;
	s26 =	sadd.s32 $0x180, s10  }
0x16f: {  	[hbm4b:s26+s17] =	stream.strided.scatter [tilespmem:s1], [sflag:$0x6], $0x400, s19, s17, $0x38;
	[tilespmem:$0x18100] =	vst v63  }
0x170: {  	s31 =	sadd.s32 $0x1C0, s10;
	s28 =	sadd.s32 $0x1000, s10;
	s26 =	simm.s32 $0x2000  }
.LBB2_6:
0x171: {  	[hbm4b:s31+s17] =	stream.strided.scatter [tilespmem:s30], [sflag:$0x6], $0x400, s19, s17, $0x38;
	[tilespmem:$0x18100] =	vst v63  }
0x172: {  	s0 =	smov.u32 s26;
	s1 =	smov.u32 s29  }
0x173: {  	s26 =	sshra.s32 s1, $0x2;
	s1 =	sadd.s32 $0x8000, s29;
	s30 =	sadd.s32 $0x10100, s0  }
0x174: {  	[hbm4b:s28+s17] =	stream.strided.scatter [tilespmem:s30], [sflag:$0x6], $0x400, s19, s17, $0x38;
	[tilespmem:$0x18100] =	vst v63  }
0x175: {  	p0 =	sne.s32 s29, $0x18000;
	s29 =	sadd.s32 $0x10500, s0;
	s30 =	sadd.s32 $0x40, s28  }
0x176: {  	[hbm4b:s30+s17] =	stream.strided.scatter [tilespmem:s29], [sflag:$0x6], $0x400, s19, s17, $0x38;
	[tilespmem:$0x18100] =	vst v63  }
0x177: {  	s29 =	sadd.s32 $0x10900, s0;
	s30 =	sadd.s32 $0x80, s28  }
0x178: {  	[hbm4b:s30+s17] =	stream.strided.scatter [tilespmem:s29], [sflag:$0x6], $0x400, s19, s17, $0x38;
	[tilespmem:$0x18100] =	vst v63  }
0x179: {  	s29 =	sadd.s32 $0x10D00, s0;
	s30 =	sadd.s32 $0xC0, s28  }
0x17a: {  	[hbm4b:s30+s17] =	stream.strided.scatter [tilespmem:s29], [sflag:$0x6], $0x400, s19, s17, $0x38;
	[tilespmem:$0x18100] =	vst v63  }
0x17b: {  	s29 =	sadd.s32 $0x11100, s0;
	s30 =	sadd.s32 $0x100, s28  }
0x17c: {  	[hbm4b:s30+s17] =	stream.strided.scatter [tilespmem:s29], [sflag:$0x6], $0x400, s19, s17, $0x38;
	[tilespmem:$0x18100] =	vst v63  }
.Ltmp2:
0x17d: {  	s29 =	sadd.s32 $0x11500, s0;
	s30 =	sadd.s32 $0x140, s28;
	(pc) =	sbr.rel @p0 .LBB2_6-.Ltmp2, $4  }
0x17e: {  	[hbm4b:s30+s17] =	stream.strided.scatter [tilespmem:s29], [sflag:$0x6], $0x400, s19, s17, $0x38;
	[tilespmem:$0x18100] =	vst v63  }
0x17f: {  	s31 =	sadd.s32 $0x1C0, s28;
	s29 =	sadd.s32 $0x11900, s0;
	s30 =	sadd.s32 $0x180, s28  }
0x180: {  	[hbm4b:s30+s17] =	stream.strided.scatter [tilespmem:s29], [sflag:$0x6], $0x400, s19, s17, $0x38;
	[tilespmem:$0x18100] =	vst v63  }
0x181: {  	s28 =	sadd.s32 $0x1000, s28;
	s30 =	sadd.s32 $0x11D00, s0;
	s29 =	smov.u32 s1  }
0x182: {  	[hbm4b:s31+s17] =	stream.strided.scatter [tilespmem:s30], [sflag:$0x6], $0x400, s19, s17, $0x38;
	[tilespmem:$0x18100] =	vst v63  }
0x183: {  	s0 =	sadd.s32 $0x10100, s26  }
0x184: {  	[hbm4b:s28+s17] =	stream.strided.scatter [tilespmem:s0], [sflag:$0x6], $0x400, s19, s17, $0x38;
	[tilespmem:$0x18100] =	vst v63  }
0x185: {  	s1 =	sadd.s32 $0x40, s28;
	s0 =	sadd.s32 $0x10500, s26  }
0x186: {  	[hbm4b:s1+s17] =	stream.strided.scatter [tilespmem:s0], [sflag:$0x6], $0x400, s19, s17, $0x38;
	[tilespmem:$0x18100] =	vst v63  }
0x187: {  	s0 =	sadd.s32 $0x10900, s26;
	s1 =	sadd.s32 $0x80, s28  }
0x188: {  	[hbm4b:s1+s17] =	stream.strided.scatter [tilespmem:s0], [sflag:$0x6], $0x400, s19, s17, $0x38;
	[tilespmem:$0x18100] =	vst v63  }
0x189: {  	s0 =	sadd.s32 $0x10D00, s26;
	s1 =	sadd.s32 $0xC0, s28  }
0x18a: {  	[hbm4b:s1+s17] =	stream.strided.scatter [tilespmem:s0], [sflag:$0x6], $0x400, s19, s17, $0x38;
	[tilespmem:$0x18100] =	vst v63  }
0x18b: {  	s0 =	sadd.s32 $0x11100, s26;
	s1 =	sadd.s32 $0x100, s28  }
0x18c: {  	[hbm4b:s1+s17] =	stream.strided.scatter [tilespmem:s0], [sflag:$0x6], $0x400, s19, s17, $0x38;
	[tilespmem:$0x18100] =	vst v63  }
0x18d: {  	s0 =	sadd.s32 $0x11500, s26;
	s1 =	sadd.s32 $0x140, s28  }
0x18e: {  	[hbm4b:s1+s17] =	stream.strided.scatter [tilespmem:s0], [sflag:$0x6], $0x400, s19, s17, $0x38;
	[tilespmem:$0x18100] =	vst v63  }
0x18f: {  	s0 =	sadd.s32 $0x11900, s26;
	s1 =	sadd.s32 $0x180, s28  }
0x190: {  	[hbm4b:s1+s17] =	stream.strided.scatter [tilespmem:s0], [sflag:$0x6], $0x400, s19, s17, $0x38;
	[tilespmem:$0x18100] =	vst v63  }
0x191: {  	s1 =	sadd.s32 $0x11D00, s26;
	s26 =	sadd.s32 $0x1C0, s28  }
0x192: {  	[hbm4b:s26+s17] =	stream.strided.scatter [tilespmem:s1], [sflag:$0x6], $0x400, s19, s17, $0x38;
	[tilespmem:$0x18100] =	vst v63  }
0x193: {  	_ =	swait.ge [sflag:s24], $0x8000  }
0x194: {  	[sflag:s24] =	ssyncset.done $0x0  }
0x195: {  	[sflag:s24] =	ssyncadd.s32 $0xFFFF8000  }
0x196: {  	v3 =	vld [tilespmem:$0xA0];
	_ =	sdelay $0x4  }
0x197: {  	v4 =	vshll.u32 v3, $0x3  }
0x198: {  	v3 =	vand.u32 $0x7, v3;
	v4 =	vand.u32 $0xFFFFFFC0, v4  }
0x199: {  	v3 =	vor.u32 v3, v4  }
0x19a: {  	v4 =	vperm.xlane v3, v0;
	_ =	sdelay $0x1  }
0x19b: {  	v4 =	vadd.s32 v1, v4;
	_ =	sdelay $0x3  }
0x19c: {  	s0 =	simm.s32 $0x0;
	s26 =	simm.s32 $0x10100  }
0x19d: {  	[tilespmem:s26], [sflag:$0x3] =	stream.indirect_vreg.gather [hbm4b:s2+s0], $0x80, v4, vm0, $0xb8;
	[tilespmem:$0x18100] =	vst v63  }
0x19e: {  	v3 =	vperm.xlane v3, v2;
	s26 =	simm.s32 $0x10900  }
0x19f: {  	[tilespmem:s26], [sflag:$0x3] =	stream.indirect_vreg.gather [hbm4b:s5+s0], $0x80, v4, vm0, $0xb8;
	[tilespmem:$0x18100] =	vst v63  }
0x1a0: {  	v3 =	vadd.s32 v1, v3;
	s26 =	simm.s32 $0x11100  }
0x1a1: {  	[tilespmem:s26], [sflag:$0x3] =	stream.indirect_vreg.gather [hbm4b:s7+s0], $0x80, v4, vm0, $0xb8;
	[tilespmem:$0x18100] =	vst v63  }
0x1a2: {  	s26 =	simm.s32 $0x11900  }
0x1a3: {  	[tilespmem:s26], [sflag:$0x3] =	stream.indirect_vreg.gather [hbm4b:s8+s0], $0x80, v4, vm0, $0xb8;
	[tilespmem:$0x18100] =	vst v63  }
0x1a4: {  	s26 =	simm.s32 $0x12100  }
0x1a5: {  	[tilespmem:s26], [sflag:$0x3] =	stream.indirect_vreg.gather [hbm4b:s2+s0], $0x80, v3, vm0, $0xb8;
	[tilespmem:$0x18100] =	vst v63  }
0x1a6: {  	s26 =	simm.s32 $0x12900  }
0x1a7: {  	[tilespmem:s26], [sflag:$0x3] =	stream.indirect_vreg.gather [hbm4b:s5+s0], $0x80, v3, vm0, $0xb8;
	[tilespmem:$0x18100] =	vst v63  }
0x1a8: {  	s26 =	simm.s32 $0x13100  }
0x1a9: {  	[tilespmem:s26], [sflag:$0x3] =	stream.indirect_vreg.gather [hbm4b:s7+s0], $0x80, v3, vm0, $0xb8;
	[tilespmem:$0x18100] =	vst v63  }
0x1aa: {  	s26 =	simm.s32 $0x13900  }
0x1ab: {  	[tilespmem:s26], [sflag:$0x3] =	stream.indirect_vreg.gather [hbm4b:s8+s0], $0x80, v3, vm0, $0xb8;
	[tilespmem:$0x18100] =	vst v63  }
0x1ac: {  	v3 =	vld [tilespmem:$0xB0];
	_ =	sdelay $0x4  }
0x1ad: {  	v63 =	vshll.u32 v3, $0x3  }
0x1ae: {  	v3 =	vand.u32 $0x7, v3;
	v4 =	vand.u32 $0xFFFFFFC0, v63  }
0x1af: {  	v3 =	vor.u32 v3, v4  }
0x1b0: {  	v4 =	vperm.xlane v3, v0;
	_ =	sdelay $0x1  }
0x1b1: {  	v4 =	vadd.s32 v1, v4;
	_ =	sdelay $0x3  }
0x1b2: {  	s26 =	simm.s32 $0x14100  }
0x1b3: {  	[tilespmem:s26], [sflag:$0x3] =	stream.indirect_vreg.gather [hbm4b:s2+s0], $0x80, v4, vm0, $0xb8;
	[tilespmem:$0x18100] =	vst v63  }
0x1b4: {  	v3 =	vperm.xlane v3, v2;
	s26 =	simm.s32 $0x14900  }
0x1b5: {  	[tilespmem:s26], [sflag:$0x3] =	stream.indirect_vreg.gather [hbm4b:s5+s0], $0x80, v4, vm0, $0xb8;
	[tilespmem:$0x18100] =	vst v63  }
0x1b6: {  	v3 =	vadd.s32 v1, v3;
	s26 =	simm.s32 $0x15100  }
0x1b7: {  	[tilespmem:s26], [sflag:$0x3] =	stream.indirect_vreg.gather [hbm4b:s7+s0], $0x80, v4, vm0, $0xb8;
	[tilespmem:$0x18100] =	vst v63  }
0x1b8: {  	s26 =	simm.s32 $0x15900  }
0x1b9: {  	[tilespmem:s26], [sflag:$0x3] =	stream.indirect_vreg.gather [hbm4b:s8+s0], $0x80, v4, vm0, $0xb8;
	[tilespmem:$0x18100] =	vst v63  }
0x1ba: {  	s26 =	simm.s32 $0x16100  }
0x1bb: {  	[tilespmem:s26], [sflag:$0x3] =	stream.indirect_vreg.gather [hbm4b:s2+s0], $0x80, v3, vm0, $0xb8;
	[tilespmem:$0x18100] =	vst v63  }
0x1bc: {  	s26 =	simm.s32 $0x16900  }
0x1bd: {  	[tilespmem:s26], [sflag:$0x3] =	stream.indirect_vreg.gather [hbm4b:s5+s0], $0x80, v3, vm0, $0xb8;
	[tilespmem:$0x18100] =	vst v63  }
0x1be: {  	s26 =	simm.s32 $0x17100  }
0x1bf: {  	[tilespmem:s26], [sflag:$0x3] =	stream.indirect_vreg.gather [hbm4b:s7+s0], $0x80, v3, vm0, $0xb8;
	[tilespmem:$0x18100] =	vst v63  }
0x1c0: {  	s26 =	simm.s32 $0x17900  }
0x1c1: {  	[tilespmem:s26], [sflag:$0x3] =	stream.indirect_vreg.gather [hbm4b:s8+s0], $0x80, v3, vm0, $0xb8;
	[tilespmem:$0x18100] =	vst v63  }
0x1c2: {  	_ =	swait.ge [sflag:s16], $0x8000  }
0x1c3: {  	[sflag:s16] =	ssyncset.done $0x0  }
0x1c4: {  	s26 =	simm.s32 $0x100;
	[sflag:s16] =	ssyncadd.s32 $0xFFFF8000  }
0x1c5: {  	[hbm4b:s11+s17] =	stream.strided.scatter [tilespmem:s26], [sflag:$0x4], $0x400, s19, s17, $0x38;
	[tilespmem:$0x18100] =	vst v63  }
0x1c6: {  	s1 =	simm.s32 $0x500;
	s26 =	sadd.s32 $0x40, s11  }
0x1c7: {  	[hbm4b:s26+s17] =	stream.strided.scatter [tilespmem:s1], [sflag:$0x4], $0x400, s19, s17, $0x38;
	[tilespmem:$0x18100] =	vst v63  }
0x1c8: {  	s1 =	simm.s32 $0x900;
	s26 =	sadd.s32 $0x80, s11  }
0x1c9: {  	[hbm4b:s26+s17] =	stream.strided.scatter [tilespmem:s1], [sflag:$0x4], $0x400, s19, s17, $0x38;
	[tilespmem:$0x18100] =	vst v63  }
0x1ca: {  	s1 =	simm.s32 $0xD00;
	s26 =	sadd.s32 $0xC0, s11  }
0x1cb: {  	[hbm4b:s26+s17] =	stream.strided.scatter [tilespmem:s1], [sflag:$0x4], $0x400, s19, s17, $0x38;
	[tilespmem:$0x18100] =	vst v63  }
0x1cc: {  	s1 =	simm.s32 $0x1100;
	s26 =	sadd.s32 $0x100, s11  }
0x1cd: {  	[hbm4b:s26+s17] =	stream.strided.scatter [tilespmem:s1], [sflag:$0x4], $0x400, s19, s17, $0x38;
	[tilespmem:$0x18100] =	vst v63  }
0x1ce: {  	s29 =	simm.s32 $0x10000;
	s1 =	simm.s32 $0x1500;
	s26 =	sadd.s32 $0x140, s11  }
0x1cf: {  	[hbm4b:s26+s17] =	stream.strided.scatter [tilespmem:s1], [sflag:$0x4], $0x400, s19, s17, $0x38;
	[tilespmem:$0x18100] =	vst v63  }
0x1d0: {  	s30 =	simm.s32 $0x1D00;
	s1 =	simm.s32 $0x1900;
	s26 =	sadd.s32 $0x180, s11  }
0x1d1: {  	[hbm4b:s26+s17] =	stream.strided.scatter [tilespmem:s1], [sflag:$0x4], $0x400, s19, s17, $0x38;
	[tilespmem:$0x18100] =	vst v63  }
0x1d2: {  	s31 =	sadd.s32 $0x1C0, s11;
	s28 =	sadd.s32 $0x1000, s11;
	s26 =	simm.s32 $0x2000  }
.LBB2_8:
0x1d3: {  	[hbm4b:s31+s17] =	stream.strided.scatter [tilespmem:s30], [sflag:$0x4], $0x400, s19, s17, $0x38;
	[tilespmem:$0x18100] =	vst v63  }
0x1d4: {  	s0 =	smov.u32 s26;
	s1 =	smov.u32 s29  }
0x1d5: {  	s26 =	sshra.s32 s1, $0x2;
	s1 =	sadd.s32 $0x8000, s29;
	s30 =	sadd.s32 $0x100, s0  }
0x1d6: {  	[hbm4b:s28+s17] =	stream.strided.scatter [tilespmem:s30], [sflag:$0x4], $0x400, s19, s17, $0x38;
	[tilespmem:$0x18100] =	vst v63  }
0x1d7: {  	p0 =	sne.s32 s29, $0x18000;
	s29 =	sadd.s32 $0x500, s0;
	s30 =	sadd.s32 $0x40, s28  }
0x1d8: {  	[hbm4b:s30+s17] =	stream.strided.scatter [tilespmem:s29], [sflag:$0x4], $0x400, s19, s17, $0x38;
	[tilespmem:$0x18100] =	vst v63  }
0x1d9: {  	s29 =	sadd.s32 $0x900, s0;
	s30 =	sadd.s32 $0x80, s28  }
0x1da: {  	[hbm4b:s30+s17] =	stream.strided.scatter [tilespmem:s29], [sflag:$0x4], $0x400, s19, s17, $0x38;
	[tilespmem:$0x18100] =	vst v63  }
0x1db: {  	s29 =	sadd.s32 $0xD00, s0;
	s30 =	sadd.s32 $0xC0, s28  }
0x1dc: {  	[hbm4b:s30+s17] =	stream.strided.scatter [tilespmem:s29], [sflag:$0x4], $0x400, s19, s17, $0x38;
	[tilespmem:$0x18100] =	vst v63  }
0x1dd: {  	s29 =	sadd.s32 $0x1100, s0;
	s30 =	sadd.s32 $0x100, s28  }
0x1de: {  	[hbm4b:s30+s17] =	stream.strided.scatter [tilespmem:s29], [sflag:$0x4], $0x400, s19, s17, $0x38;
	[tilespmem:$0x18100] =	vst v63  }
.Ltmp3:
0x1df: {  	s29 =	sadd.s32 $0x1500, s0;
	s30 =	sadd.s32 $0x140, s28;
	(pc) =	sbr.rel @p0 .LBB2_8-.Ltmp3, $4  }
0x1e0: {  	[hbm4b:s30+s17] =	stream.strided.scatter [tilespmem:s29], [sflag:$0x4], $0x400, s19, s17, $0x38;
	[tilespmem:$0x18100] =	vst v63  }
0x1e1: {  	s31 =	sadd.s32 $0x1C0, s28;
	s29 =	sadd.s32 $0x1900, s0;
	s30 =	sadd.s32 $0x180, s28  }
0x1e2: {  	[hbm4b:s30+s17] =	stream.strided.scatter [tilespmem:s29], [sflag:$0x4], $0x400, s19, s17, $0x38;
	[tilespmem:$0x18100] =	vst v63  }
0x1e3: {  	s28 =	sadd.s32 $0x1000, s28;
	s30 =	sadd.s32 $0x1D00, s0;
	s29 =	smov.u32 s1  }
0x1e4: {  	[hbm4b:s31+s17] =	stream.strided.scatter [tilespmem:s30], [sflag:$0x4], $0x400, s19, s17, $0x38;
	[tilespmem:$0x18100] =	vst v63  }
0x1e5: {  	s0 =	sadd.s32 $0x100, s26  }
0x1e6: {  	[hbm4b:s28+s17] =	stream.strided.scatter [tilespmem:s0], [sflag:$0x4], $0x400, s19, s17, $0x38;
	[tilespmem:$0x18100] =	vst v63  }
0x1e7: {  	s1 =	sadd.s32 $0x40, s28;
	s0 =	sadd.s32 $0x500, s26  }
0x1e8: {  	[hbm4b:s1+s17] =	stream.strided.scatter [tilespmem:s0], [sflag:$0x4], $0x400, s19, s17, $0x38;
	[tilespmem:$0x18100] =	vst v63  }
0x1e9: {  	s0 =	sadd.s32 $0x900, s26;
	s1 =	sadd.s32 $0x80, s28  }
0x1ea: {  	[hbm4b:s1+s17] =	stream.strided.scatter [tilespmem:s0], [sflag:$0x4], $0x400, s19, s17, $0x38;
	[tilespmem:$0x18100] =	vst v63  }
0x1eb: {  	s0 =	sadd.s32 $0xD00, s26;
	s1 =	sadd.s32 $0xC0, s28  }
0x1ec: {  	[hbm4b:s1+s17] =	stream.strided.scatter [tilespmem:s0], [sflag:$0x4], $0x400, s19, s17, $0x38;
	[tilespmem:$0x18100] =	vst v63  }
0x1ed: {  	s0 =	sadd.s32 $0x1100, s26;
	s1 =	sadd.s32 $0x100, s28  }
0x1ee: {  	[hbm4b:s1+s17] =	stream.strided.scatter [tilespmem:s0], [sflag:$0x4], $0x400, s19, s17, $0x38;
	[tilespmem:$0x18100] =	vst v63  }
0x1ef: {  	s0 =	sadd.s32 $0x1500, s26;
	s1 =	sadd.s32 $0x140, s28  }
0x1f0: {  	[hbm4b:s1+s17] =	stream.strided.scatter [tilespmem:s0], [sflag:$0x4], $0x400, s19, s17, $0x38;
	[tilespmem:$0x18100] =	vst v63  }
0x1f1: {  	s0 =	sadd.s32 $0x1900, s26;
	s1 =	sadd.s32 $0x180, s28  }
0x1f2: {  	[hbm4b:s1+s17] =	stream.strided.scatter [tilespmem:s0], [sflag:$0x4], $0x400, s19, s17, $0x38;
	[tilespmem:$0x18100] =	vst v63  }
0x1f3: {  	s1 =	sadd.s32 $0x1D00, s26;
	s26 =	sadd.s32 $0x1C0, s28  }
0x1f4: {  	[hbm4b:s26+s17] =	stream.strided.scatter [tilespmem:s1], [sflag:$0x4], $0x400, s19, s17, $0x38;
	[tilespmem:$0x18100] =	vst v63  }
0x1f5: {  	_ =	swait.ge [sflag:s20], $0x8000  }
0x1f6: {  	[sflag:s20] =	ssyncset.done $0x0  }
0x1f7: {  	[sflag:s20] =	ssyncadd.s32 $0xFFFF8000  }
0x1f8: {  	v3 =	vld [tilespmem:$0xC0];
	_ =	sdelay $0x4  }
0x1f9: {  	v4 =	vshll.u32 v3, $0x3  }
0x1fa: {  	v3 =	vand.u32 $0x7, v3;
	v4 =	vand.u32 $0xFFFFFFC0, v4  }
0x1fb: {  	v3 =	vor.u32 v3, v4  }
0x1fc: {  	v4 =	vperm.xlane v3, v0;
	_ =	sdelay $0x1  }
0x1fd: {  	v4 =	vadd.s32 v1, v4;
	_ =	sdelay $0x3  }
0x1fe: {  	s0 =	simm.s32 $0x0;
	s26 =	simm.s32 $0x100  }
0x1ff: {  	[tilespmem:s26], [sflag:$0x1] =	stream.indirect_vreg.gather [hbm4b:s2+s0], $0x80, v4, vm0, $0xb8;
	[tilespmem:$0x18100] =	vst v63  }
0x200: {  	v3 =	vperm.xlane v3, v2;
	s26 =	simm.s32 $0x900  }
0x201: {  	[tilespmem:s26], [sflag:$0x1] =	stream.indirect_vreg.gather [hbm4b:s5+s0], $0x80, v4, vm0, $0xb8;
	[tilespmem:$0x18100] =	vst v63  }
0x202: {  	v3 =	vadd.s32 v1, v3;
	s26 =	simm.s32 $0x1100  }
0x203: {  	[tilespmem:s26], [sflag:$0x1] =	stream.indirect_vreg.gather [hbm4b:s7+s0], $0x80, v4, vm0, $0xb8;
	[tilespmem:$0x18100] =	vst v63  }
0x204: {  	s26 =	simm.s32 $0x1900  }
0x205: {  	[tilespmem:s26], [sflag:$0x1] =	stream.indirect_vreg.gather [hbm4b:s8+s0], $0x80, v4, vm0, $0xb8;
	[tilespmem:$0x18100] =	vst v63  }
0x206: {  	s26 =	simm.s32 $0x2100  }
0x207: {  	[tilespmem:s26], [sflag:$0x1] =	stream.indirect_vreg.gather [hbm4b:s2+s0], $0x80, v3, vm0, $0xb8;
	[tilespmem:$0x18100] =	vst v63  }
0x208: {  	s26 =	simm.s32 $0x2900  }
0x209: {  	[tilespmem:s26], [sflag:$0x1] =	stream.indirect_vreg.gather [hbm4b:s5+s0], $0x80, v3, vm0, $0xb8;
	[tilespmem:$0x18100] =	vst v63  }
0x20a: {  	s26 =	simm.s32 $0x3100  }
0x20b: {  	[tilespmem:s26], [sflag:$0x1] =	stream.indirect_vreg.gather [hbm4b:s7+s0], $0x80, v3, vm0, $0xb8;
	[tilespmem:$0x18100] =	vst v63  }
0x20c: {  	s26 =	simm.s32 $0x3900  }
0x20d: {  	[tilespmem:s26], [sflag:$0x1] =	stream.indirect_vreg.gather [hbm4b:s8+s0], $0x80, v3, vm0, $0xb8;
	[tilespmem:$0x18100] =	vst v63  }
0x20e: {  	v3 =	vld [tilespmem:$0xD0];
	_ =	sdelay $0x4  }
0x20f: {  	v63 =	vshll.u32 v3, $0x3  }
0x210: {  	v3 =	vand.u32 $0x7, v3;
	v4 =	vand.u32 $0xFFFFFFC0, v63  }
0x211: {  	v3 =	vor.u32 v3, v4  }
0x212: {  	v4 =	vperm.xlane v3, v0;
	_ =	sdelay $0x1  }
0x213: {  	v4 =	vadd.s32 v1, v4;
	_ =	sdelay $0x3  }
0x214: {  	s26 =	simm.s32 $0x4100  }
0x215: {  	[tilespmem:s26], [sflag:$0x1] =	stream.indirect_vreg.gather [hbm4b:s2+s0], $0x80, v4, vm0, $0xb8;
	[tilespmem:$0x18100] =	vst v63  }
0x216: {  	v3 =	vperm.xlane v3, v2;
	s26 =	simm.s32 $0x4900  }
0x217: {  	[tilespmem:s26], [sflag:$0x1] =	stream.indirect_vreg.gather [hbm4b:s5+s0], $0x80, v4, vm0, $0xb8;
	[tilespmem:$0x18100] =	vst v63  }
0x218: {  	v3 =	vadd.s32 v1, v3;
	s26 =	simm.s32 $0x5100  }
0x219: {  	[tilespmem:s26], [sflag:$0x1] =	stream.indirect_vreg.gather [hbm4b:s7+s0], $0x80, v4, vm0, $0xb8;
	[tilespmem:$0x18100] =	vst v63  }
0x21a: {  	s26 =	simm.s32 $0x5900  }
0x21b: {  	[tilespmem:s26], [sflag:$0x1] =	stream.indirect_vreg.gather [hbm4b:s8+s0], $0x80, v4, vm0, $0xb8;
	[tilespmem:$0x18100] =	vst v63  }
0x21c: {  	s26 =	simm.s32 $0x6100  }
0x21d: {  	[tilespmem:s26], [sflag:$0x1] =	stream.indirect_vreg.gather [hbm4b:s2+s0], $0x80, v3, vm0, $0xb8;
	[tilespmem:$0x18100] =	vst v63  }
0x21e: {  	s26 =	simm.s32 $0x6900  }
0x21f: {  	[tilespmem:s26], [sflag:$0x1] =	stream.indirect_vreg.gather [hbm4b:s5+s0], $0x80, v3, vm0, $0xb8;
	[tilespmem:$0x18100] =	vst v63  }
0x220: {  	s26 =	simm.s32 $0x7100  }
0x221: {  	[tilespmem:s26], [sflag:$0x1] =	stream.indirect_vreg.gather [hbm4b:s7+s0], $0x80, v3, vm0, $0xb8;
	[tilespmem:$0x18100] =	vst v63  }
0x222: {  	s26 =	simm.s32 $0x7900  }
0x223: {  	[tilespmem:s26], [sflag:$0x1] =	stream.indirect_vreg.gather [hbm4b:s8+s0], $0x80, v3, vm0, $0xb8;
	[tilespmem:$0x18100] =	vst v63  }
0x224: {  	_ =	swait.ge [sflag:s21], $0x8000  }
0x225: {  	[sflag:s21] =	ssyncset.done $0x0  }
0x226: {  	s26 =	simm.s32 $0x8100;
	[sflag:s21] =	ssyncadd.s32 $0xFFFF8000  }
0x227: {  	[hbm4b:s12+s17] =	stream.strided.scatter [tilespmem:s26], [sflag:$0x5], $0x400, s19, s17, $0x38;
	[tilespmem:$0x18100] =	vst v63  }
0x228: {  	s1 =	simm.s32 $0x8500;
	s26 =	sadd.s32 $0x40, s12  }
0x229: {  	[hbm4b:s26+s17] =	stream.strided.scatter [tilespmem:s1], [sflag:$0x5], $0x400, s19, s17, $0x38;
	[tilespmem:$0x18100] =	vst v63  }
0x22a: {  	s1 =	simm.s32 $0x8900;
	s26 =	sadd.s32 $0x80, s12  }
0x22b: {  	[hbm4b:s26+s17] =	stream.strided.scatter [tilespmem:s1], [sflag:$0x5], $0x400, s19, s17, $0x38;
	[tilespmem:$0x18100] =	vst v63  }
0x22c: {  	s1 =	simm.s32 $0x8D00;
	s26 =	sadd.s32 $0xC0, s12  }
0x22d: {  	[hbm4b:s26+s17] =	stream.strided.scatter [tilespmem:s1], [sflag:$0x5], $0x400, s19, s17, $0x38;
	[tilespmem:$0x18100] =	vst v63  }
0x22e: {  	s1 =	simm.s32 $0x9100;
	s26 =	sadd.s32 $0x100, s12  }
0x22f: {  	[hbm4b:s26+s17] =	stream.strided.scatter [tilespmem:s1], [sflag:$0x5], $0x400, s19, s17, $0x38;
	[tilespmem:$0x18100] =	vst v63  }
0x230: {  	s29 =	simm.s32 $0x10000;
	s1 =	simm.s32 $0x9500;
	s26 =	sadd.s32 $0x140, s12  }
0x231: {  	[hbm4b:s26+s17] =	stream.strided.scatter [tilespmem:s1], [sflag:$0x5], $0x400, s19, s17, $0x38;
	[tilespmem:$0x18100] =	vst v63  }
0x232: {  	s30 =	simm.s32 $0x9D00;
	s1 =	simm.s32 $0x9900;
	s26 =	sadd.s32 $0x180, s12  }
0x233: {  	[hbm4b:s26+s17] =	stream.strided.scatter [tilespmem:s1], [sflag:$0x5], $0x400, s19, s17, $0x38;
	[tilespmem:$0x18100] =	vst v63  }
0x234: {  	s31 =	sadd.s32 $0x1C0, s12;
	s28 =	sadd.s32 $0x1000, s12;
	s26 =	simm.s32 $0x2000  }
.LBB2_10:
0x235: {  	[hbm4b:s31+s17] =	stream.strided.scatter [tilespmem:s30], [sflag:$0x5], $0x400, s19, s17, $0x38;
	[tilespmem:$0x18100] =	vst v63  }
0x236: {  	s0 =	smov.u32 s26;
	s1 =	smov.u32 s29  }
0x237: {  	s26 =	sshra.s32 s1, $0x2;
	s1 =	sadd.s32 $0x8000, s29;
	s30 =	sadd.s32 $0x8100, s0  }
0x238: {  	[hbm4b:s28+s17] =	stream.strided.scatter [tilespmem:s30], [sflag:$0x5], $0x400, s19, s17, $0x38;
	[tilespmem:$0x18100] =	vst v63  }
0x239: {  	p0 =	sne.s32 s29, $0x18000;
	s29 =	sadd.s32 $0x8500, s0;
	s30 =	sadd.s32 $0x40, s28  }
0x23a: {  	[hbm4b:s30+s17] =	stream.strided.scatter [tilespmem:s29], [sflag:$0x5], $0x400, s19, s17, $0x38;
	[tilespmem:$0x18100] =	vst v63  }
0x23b: {  	s29 =	sadd.s32 $0x8900, s0;
	s30 =	sadd.s32 $0x80, s28  }
0x23c: {  	[hbm4b:s30+s17] =	stream.strided.scatter [tilespmem:s29], [sflag:$0x5], $0x400, s19, s17, $0x38;
	[tilespmem:$0x18100] =	vst v63  }
0x23d: {  	s29 =	sadd.s32 $0x8D00, s0;
	s30 =	sadd.s32 $0xC0, s28  }
0x23e: {  	[hbm4b:s30+s17] =	stream.strided.scatter [tilespmem:s29], [sflag:$0x5], $0x400, s19, s17, $0x38;
	[tilespmem:$0x18100] =	vst v63  }
0x23f: {  	s29 =	sadd.s32 $0x9100, s0;
	s30 =	sadd.s32 $0x100, s28  }
0x240: {  	[hbm4b:s30+s17] =	stream.strided.scatter [tilespmem:s29], [sflag:$0x5], $0x400, s19, s17, $0x38;
	[tilespmem:$0x18100] =	vst v63  }
.Ltmp4:
0x241: {  	s29 =	sadd.s32 $0x9500, s0;
	s30 =	sadd.s32 $0x140, s28;
	(pc) =	sbr.rel @p0 .LBB2_10-.Ltmp4, $4  }
0x242: {  	[hbm4b:s30+s17] =	stream.strided.scatter [tilespmem:s29], [sflag:$0x5], $0x400, s19, s17, $0x38;
	[tilespmem:$0x18100] =	vst v63  }
0x243: {  	s31 =	sadd.s32 $0x1C0, s28;
	s29 =	sadd.s32 $0x9900, s0;
	s30 =	sadd.s32 $0x180, s28  }
0x244: {  	[hbm4b:s30+s17] =	stream.strided.scatter [tilespmem:s29], [sflag:$0x5], $0x400, s19, s17, $0x38;
	[tilespmem:$0x18100] =	vst v63  }
0x245: {  	s28 =	sadd.s32 $0x1000, s28;
	s30 =	sadd.s32 $0x9D00, s0;
	s29 =	smov.u32 s1  }
0x246: {  	[hbm4b:s31+s17] =	stream.strided.scatter [tilespmem:s30], [sflag:$0x5], $0x400, s19, s17, $0x38;
	[tilespmem:$0x18100] =	vst v63  }
0x247: {  	s0 =	sadd.s32 $0x8100, s26  }
0x248: {  	[hbm4b:s28+s17] =	stream.strided.scatter [tilespmem:s0], [sflag:$0x5], $0x400, s19, s17, $0x38;
	[tilespmem:$0x18100] =	vst v63  }
0x249: {  	s1 =	sadd.s32 $0x40, s28;
	s0 =	sadd.s32 $0x8500, s26  }
0x24a: {  	[hbm4b:s1+s17] =	stream.strided.scatter [tilespmem:s0], [sflag:$0x5], $0x400, s19, s17, $0x38;
	[tilespmem:$0x18100] =	vst v63  }
0x24b: {  	s0 =	sadd.s32 $0x8900, s26;
	s1 =	sadd.s32 $0x80, s28  }
0x24c: {  	[hbm4b:s1+s17] =	stream.strided.scatter [tilespmem:s0], [sflag:$0x5], $0x400, s19, s17, $0x38;
	[tilespmem:$0x18100] =	vst v63  }
0x24d: {  	s0 =	sadd.s32 $0x8D00, s26;
	s1 =	sadd.s32 $0xC0, s28  }
0x24e: {  	[hbm4b:s1+s17] =	stream.strided.scatter [tilespmem:s0], [sflag:$0x5], $0x400, s19, s17, $0x38;
	[tilespmem:$0x18100] =	vst v63  }
0x24f: {  	s0 =	sadd.s32 $0x9100, s26;
	s1 =	sadd.s32 $0x100, s28  }
0x250: {  	[hbm4b:s1+s17] =	stream.strided.scatter [tilespmem:s0], [sflag:$0x5], $0x400, s19, s17, $0x38;
	[tilespmem:$0x18100] =	vst v63  }
0x251: {  	s0 =	sadd.s32 $0x9500, s26;
	s1 =	sadd.s32 $0x140, s28  }
0x252: {  	[hbm4b:s1+s17] =	stream.strided.scatter [tilespmem:s0], [sflag:$0x5], $0x400, s19, s17, $0x38;
	[tilespmem:$0x18100] =	vst v63  }
0x253: {  	s0 =	sadd.s32 $0x9900, s26;
	s1 =	sadd.s32 $0x180, s28  }
0x254: {  	[hbm4b:s1+s17] =	stream.strided.scatter [tilespmem:s0], [sflag:$0x5], $0x400, s19, s17, $0x38;
	[tilespmem:$0x18100] =	vst v63  }
0x255: {  	s1 =	sadd.s32 $0x9D00, s26;
	s26 =	sadd.s32 $0x1C0, s28  }
0x256: {  	[hbm4b:s26+s17] =	stream.strided.scatter [tilespmem:s1], [sflag:$0x5], $0x400, s19, s17, $0x38;
	[tilespmem:$0x18100] =	vst v63  }
0x257: {  	_ =	swait.ge [sflag:s22], $0x8000  }
0x258: {  	[sflag:s22] =	ssyncset.done $0x0  }
0x259: {  	[sflag:s22] =	ssyncadd.s32 $0xFFFF8000  }
0x25a: {  	v3 =	vld [tilespmem:$0xE0];
	_ =	sdelay $0x4  }
0x25b: {  	v4 =	vshll.u32 v3, $0x3  }
0x25c: {  	v3 =	vand.u32 $0x7, v3;
	v4 =	vand.u32 $0xFFFFFFC0, v4  }
0x25d: {  	v3 =	vor.u32 v3, v4  }
0x25e: {  	v4 =	vperm.xlane v3, v0;
	_ =	sdelay $0x1  }
0x25f: {  	v4 =	vadd.s32 v1, v4;
	_ =	sdelay $0x3  }
0x260: {  	s0 =	simm.s32 $0x0;
	s26 =	simm.s32 $0x8100  }
0x261: {  	[tilespmem:s26], [sflag:$0x2] =	stream.indirect_vreg.gather [hbm4b:s2+s0], $0x80, v4, vm0, $0xb8;
	[tilespmem:$0x18100] =	vst v63  }
0x262: {  	v3 =	vperm.xlane v3, v2;
	s26 =	simm.s32 $0x8900  }
0x263: {  	[tilespmem:s26], [sflag:$0x2] =	stream.indirect_vreg.gather [hbm4b:s5+s0], $0x80, v4, vm0, $0xb8;
	[tilespmem:$0x18100] =	vst v63  }
0x264: {  	v3 =	vadd.s32 v1, v3;
	s26 =	simm.s32 $0x9100  }
0x265: {  	[tilespmem:s26], [sflag:$0x2] =	stream.indirect_vreg.gather [hbm4b:s7+s0], $0x80, v4, vm0, $0xb8;
	[tilespmem:$0x18100] =	vst v63  }
0x266: {  	s26 =	simm.s32 $0x9900  }
0x267: {  	[tilespmem:s26], [sflag:$0x2] =	stream.indirect_vreg.gather [hbm4b:s8+s0], $0x80, v4, vm0, $0xb8;
	[tilespmem:$0x18100] =	vst v63  }
0x268: {  	s26 =	simm.s32 $0xA100  }
0x269: {  	[tilespmem:s26], [sflag:$0x2] =	stream.indirect_vreg.gather [hbm4b:s2+s0], $0x80, v3, vm0, $0xb8;
	[tilespmem:$0x18100] =	vst v63  }
0x26a: {  	s26 =	simm.s32 $0xA900  }
0x26b: {  	[tilespmem:s26], [sflag:$0x2] =	stream.indirect_vreg.gather [hbm4b:s5+s0], $0x80, v3, vm0, $0xb8;
	[tilespmem:$0x18100] =	vst v63  }
0x26c: {  	s26 =	simm.s32 $0xB100  }
0x26d: {  	[tilespmem:s26], [sflag:$0x2] =	stream.indirect_vreg.gather [hbm4b:s7+s0], $0x80, v3, vm0, $0xb8;
	[tilespmem:$0x18100] =	vst v63  }
0x26e: {  	s26 =	simm.s32 $0xB900  }
0x26f: {  	[tilespmem:s26], [sflag:$0x2] =	stream.indirect_vreg.gather [hbm4b:s8+s0], $0x80, v3, vm0, $0xb8;
	[tilespmem:$0x18100] =	vst v63  }
0x270: {  	v3 =	vld [tilespmem:$0xF0];
	_ =	sdelay $0x4  }
0x271: {  	v63 =	vshll.u32 v3, $0x3  }
0x272: {  	v3 =	vand.u32 $0x7, v3;
	v4 =	vand.u32 $0xFFFFFFC0, v63  }
0x273: {  	v3 =	vor.u32 v3, v4  }
0x274: {  	v4 =	vperm.xlane v3, v0;
	_ =	sdelay $0x1  }
0x275: {  	v4 =	vadd.s32 v1, v4;
	_ =	sdelay $0x3  }
0x276: {  	s26 =	simm.s32 $0xC100  }
0x277: {  	[tilespmem:s26], [sflag:$0x2] =	stream.indirect_vreg.gather [hbm4b:s2+s0], $0x80, v4, vm0, $0xb8;
	[tilespmem:$0x18100] =	vst v63  }
0x278: {  	v3 =	vperm.xlane v3, v2;
	s26 =	simm.s32 $0xC900  }
0x279: {  	[tilespmem:s26], [sflag:$0x2] =	stream.indirect_vreg.gather [hbm4b:s5+s0], $0x80, v4, vm0, $0xb8;
	[tilespmem:$0x18100] =	vst v63  }
0x27a: {  	v3 =	vadd.s32 v1, v3;
	s26 =	simm.s32 $0xD100  }
0x27b: {  	[tilespmem:s26], [sflag:$0x2] =	stream.indirect_vreg.gather [hbm4b:s7+s0], $0x80, v4, vm0, $0xb8;
	[tilespmem:$0x18100] =	vst v63  }
0x27c: {  	s26 =	simm.s32 $0xD900  }
0x27d: {  	[tilespmem:s26], [sflag:$0x2] =	stream.indirect_vreg.gather [hbm4b:s8+s0], $0x80, v4, vm0, $0xb8;
	[tilespmem:$0x18100] =	vst v63  }
0x27e: {  	s26 =	simm.s32 $0xE100  }
0x27f: {  	[tilespmem:s26], [sflag:$0x2] =	stream.indirect_vreg.gather [hbm4b:s2+s0], $0x80, v3, vm0, $0xb8;
	[tilespmem:$0x18100] =	vst v63  }
0x280: {  	s26 =	simm.s32 $0xE900  }
0x281: {  	[tilespmem:s26], [sflag:$0x2] =	stream.indirect_vreg.gather [hbm4b:s5+s0], $0x80, v3, vm0, $0xb8;
	[tilespmem:$0x18100] =	vst v63  }
0x282: {  	_ = 	snop  }
0x283: {  	[tilespmem:s18], [sflag:$0x2] =	stream.indirect_vreg.gather [hbm4b:s7+s0], $0x80, v3, vm0, $0xb8;
	[tilespmem:$0x18100] =	vst v63  }
0x284: {  	_ = 	snop  }
0x285: {  	[tilespmem:s4], [sflag:$0x2] =	stream.indirect_vreg.gather [hbm4b:s8+s0], $0x80, v3, vm0, $0xb8;
	[tilespmem:$0x18100] =	vst v63  }
0x286: {  	_ =	swait.ge [sflag:s23], $0x8000  }
0x287: {  	[sflag:s23] =	ssyncset.done $0x0  }
0x288: {  	s26 =	simm.s32 $0x10100;
	[sflag:s23] =	ssyncadd.s32 $0xFFFF8000  }
0x289: {  	[hbm4b:s13+s17] =	stream.strided.scatter [tilespmem:s26], [sflag:$0x6], $0x400, s19, s17, $0x38;
	[tilespmem:$0x18100] =	vst v63  }
0x28a: {  	s1 =	simm.s32 $0x10500;
	s26 =	sadd.s32 $0x40, s13  }
0x28b: {  	[hbm4b:s26+s17] =	stream.strided.scatter [tilespmem:s1], [sflag:$0x6], $0x400, s19, s17, $0x38;
	[tilespmem:$0x18100] =	vst v63  }
0x28c: {  	s1 =	simm.s32 $0x10900;
	s26 =	sadd.s32 $0x80, s13  }
0x28d: {  	[hbm4b:s26+s17] =	stream.strided.scatter [tilespmem:s1], [sflag:$0x6], $0x400, s19, s17, $0x38;
	[tilespmem:$0x18100] =	vst v63  }
0x28e: {  	s1 =	simm.s32 $0x10D00;
	s26 =	sadd.s32 $0xC0, s13  }
0x28f: {  	[hbm4b:s26+s17] =	stream.strided.scatter [tilespmem:s1], [sflag:$0x6], $0x400, s19, s17, $0x38;
	[tilespmem:$0x18100] =	vst v63  }
0x290: {  	s1 =	simm.s32 $0x11100;
	s26 =	sadd.s32 $0x100, s13  }
0x291: {  	[hbm4b:s26+s17] =	stream.strided.scatter [tilespmem:s1], [sflag:$0x6], $0x400, s19, s17, $0x38;
	[tilespmem:$0x18100] =	vst v63  }
0x292: {  	s29 =	simm.s32 $0x10000;
	s1 =	simm.s32 $0x11500;
	s26 =	sadd.s32 $0x140, s13  }
0x293: {  	[hbm4b:s26+s17] =	stream.strided.scatter [tilespmem:s1], [sflag:$0x6], $0x400, s19, s17, $0x38;
	[tilespmem:$0x18100] =	vst v63  }
0x294: {  	s30 =	simm.s32 $0x11D00;
	s1 =	simm.s32 $0x11900;
	s26 =	sadd.s32 $0x180, s13  }
0x295: {  	[hbm4b:s26+s17] =	stream.strided.scatter [tilespmem:s1], [sflag:$0x6], $0x400, s19, s17, $0x38;
	[tilespmem:$0x18100] =	vst v63  }
0x296: {  	s31 =	sadd.s32 $0x1C0, s13;
	s28 =	sadd.s32 $0x1000, s13;
	s26 =	simm.s32 $0x2000  }
.LBB2_12:
0x297: {  	[hbm4b:s31+s17] =	stream.strided.scatter [tilespmem:s30], [sflag:$0x6], $0x400, s19, s17, $0x38;
	[tilespmem:$0x18100] =	vst v63  }
0x298: {  	s0 =	smov.u32 s26;
	s1 =	smov.u32 s29  }
0x299: {  	s26 =	sshra.s32 s1, $0x2;
	s1 =	sadd.s32 $0x8000, s29;
	s30 =	sadd.s32 $0x10100, s0  }
0x29a: {  	[hbm4b:s28+s17] =	stream.strided.scatter [tilespmem:s30], [sflag:$0x6], $0x400, s19, s17, $0x38;
	[tilespmem:$0x18100] =	vst v63  }
0x29b: {  	p0 =	sne.s32 s29, $0x18000;
	s29 =	sadd.s32 $0x10500, s0;
	s30 =	sadd.s32 $0x40, s28  }
0x29c: {  	[hbm4b:s30+s17] =	stream.strided.scatter [tilespmem:s29], [sflag:$0x6], $0x400, s19, s17, $0x38;
	[tilespmem:$0x18100] =	vst v63  }
0x29d: {  	s29 =	sadd.s32 $0x10900, s0;
	s30 =	sadd.s32 $0x80, s28  }
0x29e: {  	[hbm4b:s30+s17] =	stream.strided.scatter [tilespmem:s29], [sflag:$0x6], $0x400, s19, s17, $0x38;
	[tilespmem:$0x18100] =	vst v63  }
0x29f: {  	s29 =	sadd.s32 $0x10D00, s0;
	s30 =	sadd.s32 $0xC0, s28  }
0x2a0: {  	[hbm4b:s30+s17] =	stream.strided.scatter [tilespmem:s29], [sflag:$0x6], $0x400, s19, s17, $0x38;
	[tilespmem:$0x18100] =	vst v63  }
0x2a1: {  	s29 =	sadd.s32 $0x11100, s0;
	s30 =	sadd.s32 $0x100, s28  }
0x2a2: {  	[hbm4b:s30+s17] =	stream.strided.scatter [tilespmem:s29], [sflag:$0x6], $0x400, s19, s17, $0x38;
	[tilespmem:$0x18100] =	vst v63  }
.Ltmp5:
0x2a3: {  	s29 =	sadd.s32 $0x11500, s0;
	s30 =	sadd.s32 $0x140, s28;
	(pc) =	sbr.rel @p0 .LBB2_12-.Ltmp5, $4  }
0x2a4: {  	[hbm4b:s30+s17] =	stream.strided.scatter [tilespmem:s29], [sflag:$0x6], $0x400, s19, s17, $0x38;
	[tilespmem:$0x18100] =	vst v63  }
0x2a5: {  	s31 =	sadd.s32 $0x1C0, s28;
	s29 =	sadd.s32 $0x11900, s0;
	s30 =	sadd.s32 $0x180, s28  }
0x2a6: {  	[hbm4b:s30+s17] =	stream.strided.scatter [tilespmem:s29], [sflag:$0x6], $0x400, s19, s17, $0x38;
	[tilespmem:$0x18100] =	vst v63  }
0x2a7: {  	s28 =	sadd.s32 $0x1000, s28;
	s30 =	sadd.s32 $0x11D00, s0;
	s29 =	smov.u32 s1  }
0x2a8: {  	[hbm4b:s31+s17] =	stream.strided.scatter [tilespmem:s30], [sflag:$0x6], $0x400, s19, s17, $0x38;
	[tilespmem:$0x18100] =	vst v63  }
0x2a9: {  	s0 =	sadd.s32 $0x10100, s26  }
0x2aa: {  	[hbm4b:s28+s17] =	stream.strided.scatter [tilespmem:s0], [sflag:$0x6], $0x400, s19, s17, $0x38;
	[tilespmem:$0x18100] =	vst v63  }
0x2ab: {  	s1 =	sadd.s32 $0x40, s28;
	s0 =	sadd.s32 $0x10500, s26  }
0x2ac: {  	[hbm4b:s1+s17] =	stream.strided.scatter [tilespmem:s0], [sflag:$0x6], $0x400, s19, s17, $0x38;
	[tilespmem:$0x18100] =	vst v63  }
0x2ad: {  	s0 =	sadd.s32 $0x10900, s26;
	s1 =	sadd.s32 $0x80, s28  }
0x2ae: {  	[hbm4b:s1+s17] =	stream.strided.scatter [tilespmem:s0], [sflag:$0x6], $0x400, s19, s17, $0x38;
	[tilespmem:$0x18100] =	vst v63  }
0x2af: {  	s0 =	sadd.s32 $0x10D00, s26;
	s1 =	sadd.s32 $0xC0, s28  }
0x2b0: {  	[hbm4b:s1+s17] =	stream.strided.scatter [tilespmem:s0], [sflag:$0x6], $0x400, s19, s17, $0x38;
	[tilespmem:$0x18100] =	vst v63  }
0x2b1: {  	s0 =	sadd.s32 $0x11100, s26;
	s1 =	sadd.s32 $0x100, s28  }
0x2b2: {  	[hbm4b:s1+s17] =	stream.strided.scatter [tilespmem:s0], [sflag:$0x6], $0x400, s19, s17, $0x38;
	[tilespmem:$0x18100] =	vst v63  }
0x2b3: {  	s0 =	sadd.s32 $0x11500, s26;
	s1 =	sadd.s32 $0x140, s28  }
0x2b4: {  	[hbm4b:s1+s17] =	stream.strided.scatter [tilespmem:s0], [sflag:$0x6], $0x400, s19, s17, $0x38;
	[tilespmem:$0x18100] =	vst v63  }
0x2b5: {  	s0 =	sadd.s32 $0x11900, s26;
	s1 =	sadd.s32 $0x180, s28  }
0x2b6: {  	[hbm4b:s1+s17] =	stream.strided.scatter [tilespmem:s0], [sflag:$0x6], $0x400, s19, s17, $0x38;
	[tilespmem:$0x18100] =	vst v63  }
0x2b7: {  	s1 =	sadd.s32 $0x11D00, s26;
	s26 =	sadd.s32 $0x1C0, s28  }
0x2b8: {  	[hbm4b:s26+s17] =	stream.strided.scatter [tilespmem:s1], [sflag:$0x6], $0x400, s19, s17, $0x38;
	[tilespmem:$0x18100] =	vst v63  }
0x2b9: {  	_ =	swait.ge [sflag:s16], $0x8000  }
0x2ba: {  	[sflag:s16] =	ssyncset.done $0x0  }
0x2bb: {  	s26 =	simm.s32 $0x100;
	[sflag:s16] =	ssyncadd.s32 $0xFFFF8000  }
0x2bc: {  	[hbm4b:s14+s17] =	stream.strided.scatter [tilespmem:s26], [sflag:$0x4], $0x400, s19, s17, $0x38;
	[tilespmem:$0x18100] =	vst v63  }
0x2bd: {  	s1 =	simm.s32 $0x500;
	s26 =	sadd.s32 $0x40, s14  }
0x2be: {  	[hbm4b:s26+s17] =	stream.strided.scatter [tilespmem:s1], [sflag:$0x4], $0x400, s19, s17, $0x38;
	[tilespmem:$0x18100] =	vst v63  }
0x2bf: {  	s1 =	simm.s32 $0x900;
	s26 =	sadd.s32 $0x80, s14  }
0x2c0: {  	[hbm4b:s26+s17] =	stream.strided.scatter [tilespmem:s1], [sflag:$0x4], $0x400, s19, s17, $0x38;
	[tilespmem:$0x18100] =	vst v63  }
0x2c1: {  	s1 =	simm.s32 $0xD00;
	s26 =	sadd.s32 $0xC0, s14  }
0x2c2: {  	[hbm4b:s26+s17] =	stream.strided.scatter [tilespmem:s1], [sflag:$0x4], $0x400, s19, s17, $0x38;
	[tilespmem:$0x18100] =	vst v63  }
0x2c3: {  	s1 =	simm.s32 $0x1100;
	s26 =	sadd.s32 $0x100, s14  }
0x2c4: {  	[hbm4b:s26+s17] =	stream.strided.scatter [tilespmem:s1], [sflag:$0x4], $0x400, s19, s17, $0x38;
	[tilespmem:$0x18100] =	vst v63  }
0x2c5: {  	s29 =	simm.s32 $0x10000;
	s1 =	simm.s32 $0x1500;
	s26 =	sadd.s32 $0x140, s14  }
0x2c6: {  	[hbm4b:s26+s17] =	stream.strided.scatter [tilespmem:s1], [sflag:$0x4], $0x400, s19, s17, $0x38;
	[tilespmem:$0x18100] =	vst v63  }
0x2c7: {  	s30 =	simm.s32 $0x1D00;
	s1 =	simm.s32 $0x1900;
	s26 =	sadd.s32 $0x180, s14  }
0x2c8: {  	[hbm4b:s26+s17] =	stream.strided.scatter [tilespmem:s1], [sflag:$0x4], $0x400, s19, s17, $0x38;
	[tilespmem:$0x18100] =	vst v63  }
0x2c9: {  	s31 =	sadd.s32 $0x1C0, s14;
	s28 =	sadd.s32 $0x1000, s14;
	s26 =	simm.s32 $0x2000  }
.LBB2_14:
0x2ca: {  	[hbm4b:s31+s17] =	stream.strided.scatter [tilespmem:s30], [sflag:$0x4], $0x400, s19, s17, $0x38;
	[tilespmem:$0x18100] =	vst v63  }
0x2cb: {  	s0 =	smov.u32 s26;
	s1 =	smov.u32 s29  }
0x2cc: {  	s26 =	sshra.s32 s1, $0x2;
	s1 =	sadd.s32 $0x8000, s29;
	s30 =	sadd.s32 $0x100, s0  }
0x2cd: {  	[hbm4b:s28+s17] =	stream.strided.scatter [tilespmem:s30], [sflag:$0x4], $0x400, s19, s17, $0x38;
	[tilespmem:$0x18100] =	vst v63  }
0x2ce: {  	p0 =	sne.s32 s29, $0x18000;
	s29 =	sadd.s32 $0x500, s0;
	s30 =	sadd.s32 $0x40, s28  }
0x2cf: {  	[hbm4b:s30+s17] =	stream.strided.scatter [tilespmem:s29], [sflag:$0x4], $0x400, s19, s17, $0x38;
	[tilespmem:$0x18100] =	vst v63  }
0x2d0: {  	s29 =	sadd.s32 $0x900, s0;
	s30 =	sadd.s32 $0x80, s28  }
0x2d1: {  	[hbm4b:s30+s17] =	stream.strided.scatter [tilespmem:s29], [sflag:$0x4], $0x400, s19, s17, $0x38;
	[tilespmem:$0x18100] =	vst v63  }
0x2d2: {  	s29 =	sadd.s32 $0xD00, s0;
	s30 =	sadd.s32 $0xC0, s28  }
0x2d3: {  	[hbm4b:s30+s17] =	stream.strided.scatter [tilespmem:s29], [sflag:$0x4], $0x400, s19, s17, $0x38;
	[tilespmem:$0x18100] =	vst v63  }
0x2d4: {  	s29 =	sadd.s32 $0x1100, s0;
	s30 =	sadd.s32 $0x100, s28  }
0x2d5: {  	[hbm4b:s30+s17] =	stream.strided.scatter [tilespmem:s29], [sflag:$0x4], $0x400, s19, s17, $0x38;
	[tilespmem:$0x18100] =	vst v63  }
.Ltmp6:
0x2d6: {  	s29 =	sadd.s32 $0x1500, s0;
	s30 =	sadd.s32 $0x140, s28;
	(pc) =	sbr.rel @p0 .LBB2_14-.Ltmp6, $4  }
0x2d7: {  	[hbm4b:s30+s17] =	stream.strided.scatter [tilespmem:s29], [sflag:$0x4], $0x400, s19, s17, $0x38;
	[tilespmem:$0x18100] =	vst v63  }
0x2d8: {  	s31 =	sadd.s32 $0x1C0, s28;
	s29 =	sadd.s32 $0x1900, s0;
	s30 =	sadd.s32 $0x180, s28  }
0x2d9: {  	[hbm4b:s30+s17] =	stream.strided.scatter [tilespmem:s29], [sflag:$0x4], $0x400, s19, s17, $0x38;
	[tilespmem:$0x18100] =	vst v63  }
0x2da: {  	s28 =	sadd.s32 $0x1000, s28;
	s30 =	sadd.s32 $0x1D00, s0;
	s29 =	smov.u32 s1  }
0x2db: {  	[hbm4b:s31+s17] =	stream.strided.scatter [tilespmem:s30], [sflag:$0x4], $0x400, s19, s17, $0x38;
	[tilespmem:$0x18100] =	vst v63  }
0x2dc: {  	s0 =	sadd.s32 $0x100, s26  }
0x2dd: {  	[hbm4b:s28+s17] =	stream.strided.scatter [tilespmem:s0], [sflag:$0x4], $0x400, s19, s17, $0x38;
	[tilespmem:$0x18100] =	vst v63  }
0x2de: {  	s1 =	sadd.s32 $0x40, s28;
	s0 =	sadd.s32 $0x500, s26  }
0x2df: {  	[hbm4b:s1+s17] =	stream.strided.scatter [tilespmem:s0], [sflag:$0x4], $0x400, s19, s17, $0x38;
	[tilespmem:$0x18100] =	vst v63  }
0x2e0: {  	s0 =	sadd.s32 $0x900, s26;
	s1 =	sadd.s32 $0x80, s28  }
0x2e1: {  	[hbm4b:s1+s17] =	stream.strided.scatter [tilespmem:s0], [sflag:$0x4], $0x400, s19, s17, $0x38;
	[tilespmem:$0x18100] =	vst v63  }
0x2e2: {  	s0 =	sadd.s32 $0xD00, s26;
	s1 =	sadd.s32 $0xC0, s28  }
0x2e3: {  	[hbm4b:s1+s17] =	stream.strided.scatter [tilespmem:s0], [sflag:$0x4], $0x400, s19, s17, $0x38;
	[tilespmem:$0x18100] =	vst v63  }
0x2e4: {  	s0 =	sadd.s32 $0x1100, s26;
	s1 =	sadd.s32 $0x100, s28  }
0x2e5: {  	[hbm4b:s1+s17] =	stream.strided.scatter [tilespmem:s0], [sflag:$0x4], $0x400, s19, s17, $0x38;
	[tilespmem:$0x18100] =	vst v63  }
0x2e6: {  	s0 =	sadd.s32 $0x1500, s26;
	s1 =	sadd.s32 $0x140, s28  }
0x2e7: {  	[hbm4b:s1+s17] =	stream.strided.scatter [tilespmem:s0], [sflag:$0x4], $0x400, s19, s17, $0x38;
	[tilespmem:$0x18100] =	vst v63  }
0x2e8: {  	s0 =	sadd.s32 $0x1900, s26;
	s1 =	sadd.s32 $0x180, s28  }
0x2e9: {  	[hbm4b:s1+s17] =	stream.strided.scatter [tilespmem:s0], [sflag:$0x4], $0x400, s19, s17, $0x38;
	[tilespmem:$0x18100] =	vst v63  }
0x2ea: {  	s1 =	sadd.s32 $0x1D00, s26;
	s26 =	sadd.s32 $0x1C0, s28  }
0x2eb: {  	[hbm4b:s26+s17] =	stream.strided.scatter [tilespmem:s1], [sflag:$0x4], $0x400, s19, s17, $0x38;
	[tilespmem:$0x18100] =	vst v63  }
0x2ec: {  	_ =	swait.ge [sflag:s21], $0x8000  }
0x2ed: {  	[sflag:s21] =	ssyncset.done $0x0  }
0x2ee: {  	s26 =	simm.s32 $0x8100;
	[sflag:s21] =	ssyncadd.s32 $0xFFFF8000  }
0x2ef: {  	[hbm4b:s15+s17] =	stream.strided.scatter [tilespmem:s26], [sflag:$0x5], $0x400, s19, s17, $0x38;
	[tilespmem:$0x18100] =	vst v63  }
0x2f0: {  	s1 =	simm.s32 $0x8500;
	s26 =	sadd.s32 $0x40, s15  }
0x2f1: {  	[hbm4b:s26+s17] =	stream.strided.scatter [tilespmem:s1], [sflag:$0x5], $0x400, s19, s17, $0x38;
	[tilespmem:$0x18100] =	vst v63  }
0x2f2: {  	s1 =	simm.s32 $0x8900;
	s26 =	sadd.s32 $0x80, s15  }
0x2f3: {  	[hbm4b:s26+s17] =	stream.strided.scatter [tilespmem:s1], [sflag:$0x5], $0x400, s19, s17, $0x38;
	[tilespmem:$0x18100] =	vst v63  }
0x2f4: {  	s1 =	simm.s32 $0x8D00;
	s26 =	sadd.s32 $0xC0, s15  }
0x2f5: {  	[hbm4b:s26+s17] =	stream.strided.scatter [tilespmem:s1], [sflag:$0x5], $0x400, s19, s17, $0x38;
	[tilespmem:$0x18100] =	vst v63  }
0x2f6: {  	s1 =	simm.s32 $0x9100;
	s26 =	sadd.s32 $0x100, s15  }
0x2f7: {  	[hbm4b:s26+s17] =	stream.strided.scatter [tilespmem:s1], [sflag:$0x5], $0x400, s19, s17, $0x38;
	[tilespmem:$0x18100] =	vst v63  }
0x2f8: {  	s29 =	simm.s32 $0x10000;
	s1 =	simm.s32 $0x9500;
	s26 =	sadd.s32 $0x140, s15  }
0x2f9: {  	[hbm4b:s26+s17] =	stream.strided.scatter [tilespmem:s1], [sflag:$0x5], $0x400, s19, s17, $0x38;
	[tilespmem:$0x18100] =	vst v63  }
0x2fa: {  	s30 =	simm.s32 $0x9D00;
	s1 =	simm.s32 $0x9900;
	s26 =	sadd.s32 $0x180, s15  }
0x2fb: {  	[hbm4b:s26+s17] =	stream.strided.scatter [tilespmem:s1], [sflag:$0x5], $0x400, s19, s17, $0x38;
	[tilespmem:$0x18100] =	vst v63  }
0x2fc: {  	s31 =	sadd.s32 $0x1C0, s15;
	s28 =	sadd.s32 $0x1000, s15;
	s26 =	simm.s32 $0x2000  }
.LBB2_16:
0x2fd: {  	[hbm4b:s31+s17] =	stream.strided.scatter [tilespmem:s30], [sflag:$0x5], $0x400, s19, s17, $0x38;
	[tilespmem:$0x18100] =	vst v63  }
0x2fe: {  	s0 =	smov.u32 s26;
	s1 =	smov.u32 s29  }
0x2ff: {  	s26 =	sshra.s32 s1, $0x2;
	s1 =	sadd.s32 $0x8000, s29;
	s30 =	sadd.s32 $0x8100, s0  }
0x300: {  	[hbm4b:s28+s17] =	stream.strided.scatter [tilespmem:s30], [sflag:$0x5], $0x400, s19, s17, $0x38;
	[tilespmem:$0x18100] =	vst v63  }
0x301: {  	p0 =	sne.s32 s29, $0x18000;
	s29 =	sadd.s32 $0x8500, s0;
	s30 =	sadd.s32 $0x40, s28  }
0x302: {  	[hbm4b:s30+s17] =	stream.strided.scatter [tilespmem:s29], [sflag:$0x5], $0x400, s19, s17, $0x38;
	[tilespmem:$0x18100] =	vst v63  }
0x303: {  	s29 =	sadd.s32 $0x8900, s0;
	s30 =	sadd.s32 $0x80, s28  }
0x304: {  	[hbm4b:s30+s17] =	stream.strided.scatter [tilespmem:s29], [sflag:$0x5], $0x400, s19, s17, $0x38;
	[tilespmem:$0x18100] =	vst v63  }
0x305: {  	s29 =	sadd.s32 $0x8D00, s0;
	s30 =	sadd.s32 $0xC0, s28  }
0x306: {  	[hbm4b:s30+s17] =	stream.strided.scatter [tilespmem:s29], [sflag:$0x5], $0x400, s19, s17, $0x38;
	[tilespmem:$0x18100] =	vst v63  }
0x307: {  	s29 =	sadd.s32 $0x9100, s0;
	s30 =	sadd.s32 $0x100, s28  }
0x308: {  	[hbm4b:s30+s17] =	stream.strided.scatter [tilespmem:s29], [sflag:$0x5], $0x400, s19, s17, $0x38;
	[tilespmem:$0x18100] =	vst v63  }
.Ltmp7:
0x309: {  	s29 =	sadd.s32 $0x9500, s0;
	s30 =	sadd.s32 $0x140, s28;
	(pc) =	sbr.rel @p0 .LBB2_16-.Ltmp7, $4  }
0x30a: {  	[hbm4b:s30+s17] =	stream.strided.scatter [tilespmem:s29], [sflag:$0x5], $0x400, s19, s17, $0x38;
	[tilespmem:$0x18100] =	vst v63  }
0x30b: {  	s31 =	sadd.s32 $0x1C0, s28;
	s29 =	sadd.s32 $0x9900, s0;
	s30 =	sadd.s32 $0x180, s28  }
0x30c: {  	[hbm4b:s30+s17] =	stream.strided.scatter [tilespmem:s29], [sflag:$0x5], $0x400, s19, s17, $0x38;
	[tilespmem:$0x18100] =	vst v63  }
0x30d: {  	s28 =	sadd.s32 $0x1000, s28;
	s30 =	sadd.s32 $0x9D00, s0;
	s29 =	smov.u32 s1  }
0x30e: {  	[hbm4b:s31+s17] =	stream.strided.scatter [tilespmem:s30], [sflag:$0x5], $0x400, s19, s17, $0x38;
	[tilespmem:$0x18100] =	vst v63  }
0x30f: {  	s0 =	sadd.s32 $0x8100, s26  }
0x310: {  	[hbm4b:s28+s17] =	stream.strided.scatter [tilespmem:s0], [sflag:$0x5], $0x400, s19, s17, $0x38;
	[tilespmem:$0x18100] =	vst v63  }
0x311: {  	s29 =	sadd.s32 $0x8500, s26;
	s1 =	sadd.s32 $0x40, s28  }
0x312: {  	[hbm4b:s1+s17] =	stream.strided.scatter [tilespmem:s29], [sflag:$0x5], $0x400, s19, s17, $0x38;
	[tilespmem:$0x18100] =	vst v63  }
0x313: {  	s30 =	sadd.s32 $0x8900, s26;
	s31 =	sadd.s32 $0x80, s28  }
0x314: {  	[hbm4b:s31+s17] =	stream.strided.scatter [tilespmem:s30], [sflag:$0x5], $0x400, s19, s17, $0x38;
	[tilespmem:$0x18100] =	vst v63  }
0x315: {  	s1 =	sadd.s32 $0x8D00, s26;
	s29 =	sadd.s32 $0xC0, s28  }
0x316: {  	[hbm4b:s29+s17] =	stream.strided.scatter [tilespmem:s1], [sflag:$0x5], $0x400, s19, s17, $0x38;
	[tilespmem:$0x18100] =	vst v63  }
0x317: {  	s30 =	sadd.s32 $0x9100, s26;
	s31 =	sadd.s32 $0x100, s28  }
0x318: {  	[hbm4b:s31+s17] =	stream.strided.scatter [tilespmem:s30], [sflag:$0x5], $0x400, s19, s17, $0x38;
	[tilespmem:$0x18100] =	vst v63  }
0x319: {  	s1 =	sadd.s32 $0x9500, s26;
	s29 =	sadd.s32 $0x140, s28  }
0x31a: {  	[hbm4b:s29+s17] =	stream.strided.scatter [tilespmem:s1], [sflag:$0x5], $0x400, s19, s17, $0x38;
	[tilespmem:$0x18100] =	vst v63  }
0x31b: {  	s30 =	sadd.s32 $0x9900, s26;
	s31 =	sadd.s32 $0x180, s28  }
0x31c: {  	[hbm4b:s31+s17] =	stream.strided.scatter [tilespmem:s30], [sflag:$0x5], $0x400, s19, s17, $0x38;
	[tilespmem:$0x18100] =	vst v63  }
0x31d: {  	s29 =	sadd.s32 $0x9D00, s26;
	s30 =	sadd.s32 $0x1C0, s28  }
0x31e: {  	[hbm4b:s30+s17] =	stream.strided.scatter [tilespmem:s29], [sflag:$0x5], $0x400, s19, s17, $0x38;
	[tilespmem:$0x18100] =	vst v63  }
0x31f: {  	_ =	swait.ge [sflag:s20], $0x8000  }
0x320: {  	[sflag:s20] =	ssyncset.done $0x0  }
0x321: {  	[sflag:s20] =	ssyncadd.s32 $0xFFFF8000  }
0x322: {  	_ =	swait.ge [sflag:s22], $0x8000  }
0x323: {  	[sflag:s22] =	ssyncset.done $0x0  }
0x324: {  	[sflag:s22] =	ssyncadd.s32 $0xFFFF8000  }
0x325: {  	_ =	swait.ge [sflag:s24], $0x8000  }
0x326: {  	s25 =	sadd.s32 $0x1, s25;
	s31 =	rddreg [dreg:$0x5]  }
0x327: {  	p0 =	sne.s32 s25, s31  }
.Ltmp8:
0x328: {  	_ = 	snop;
	(pc) =	sbr.rel @p0 .LBB2_1-.Ltmp8, $3  }
0x329: {  	_ =	sdelay $0x1  }
0x32a: {  	[sflag:s24] =	ssyncset.done $0x0  }
0x32b: {  	[sflag:s24] =	ssyncadd.s32 $0xFFFF8000  }
0x32c: {  	_ =	sfence.sel $0x180000  }
0x32d: {  	[bflag:$0x0] =	sbarrier.arrive $0xFFFF  }
0x32e: {  	_ =	strace $0x90000047  }
0x32f: {  	s0 =	stileid.u32;
	[bflag:$0x2] =	sbarrier.arrive $0xFFFF  }
0x330: {  	p0 =	sne.s32 s0, $0x0;
	s0 =	rddreg [dreg:$0x3]  }
0x331: {  	s0 =	sadd.s32 @!p0 $0x100000, s0  }
0x332: {  	[sflag:s0] =	ssyncadd.tile.s32 @!p0 $0x1;
	_ =	shalt  }
.Lfunc_end2:
_tile_overlayer_lowered:
.L_overlay_start_2:
0x333: {  	(tag) =	ssettag $0x2  }
0x334: {  	s0 =	rddreg [dreg:$0x0];
	s2 =	stileid.u32  }
0x335: {  	s1 =	rddreg [dreg:$0x1];
	p0 =	sne.s32 s2, $0x0  }
0x336: {  	s3 =	rddreg [dreg:$0x2];
	[bflag:$0x3] =	sbarrier.arrive $0xFFFF;
	s2 =	simm.s32 @!p0 $0x1C07  }
0x337: {  	[timem:s3], [sflag:s2] =	dma.local @!p0 [hbm:s0], s1  }
0x338: {  	s0 =	simm.s32 @!p0 $0x7  }
0x339: {  	_ =	swait.ge @!p0 [sflag:s0], s1  }
0x33a: {  	s1 =	ssub.s32 @!p0 $0x0, s1;
	[sflag:s0] =	ssyncset.done @!p0 $0x0  }
0x33b: {  	[sflag:s0] =	ssyncadd.s32 @!p0 s1  }
0x33c: {  	[bflag:$0x3] =	sbarrier.arrive $0xFFFF  }
0x33d: {  	_ =	shalt  }

</sc_bundles>
